<compile_context>
chip_gen: v7x
topology: tpu7x:2x2x1
jax: 0.10.2.dev20260603
libtpu: 0.0.44.dev20260713+nightly
codegen_flags: <defaults>
</compile_context>

<pallas_src>
import functools

import jax
import jax.numpy as jnp
from jax import lax
from jax.experimental import pallas as pl
from jax.experimental.pallas import tpu as pltpu
from jax.experimental.pallas import tpu_sc as plsc

_N = 10000
_E = 320000
_D = 128
_H = 128
_C = 20
_TEMP = 10.0

_HE = 144
_NC = 2
_NS = 16
_NW = _NC * _NS
_CHUNK = 128
_EPW = _E // _NW
_NCHUNK = _EPW // _CHUNK
_ETAIL = _EPW - _NCHUNK * _CHUNK
_RPS = 632
_AROWS = _NS * _RPS

_BN = 2000


def _pre_body(x_ref, win_ref, bin_ref, wr_ref, bl_ref, fe_ref, base_ref):
    xb = x_ref[...]
    feat = jnp.dot(xb, win_ref[...], preferred_element_type=jnp.float32)
    feat = jnp.maximum(feat + bin_ref[...], 0.0)
    col = lax.broadcasted_iota(jnp.int32, (_BN, _HE - _H), 1)
    tail = jnp.where(col == 0, 1.0, 0.0).astype(jnp.float32)
    fe_ref[...] = jnp.concatenate([feat, tail], axis=1)
    base = jnp.dot(feat, wr_ref[...], preferred_element_type=jnp.float32)
    base_ref[...] = base + bl_ref[...]


def _pre(x, w_in, b_in, w_r, b_l):
    grid = _N // _BN
    return pl.pallas_call(
        _pre_body,
        grid=(grid,),
        in_specs=[
            pl.BlockSpec((_BN, _D), lambda i: (i, 0)),
            pl.BlockSpec((_D, _H), lambda i: (0, 0)),
            pl.BlockSpec((1, _H), lambda i: (0, 0)),
            pl.BlockSpec((_H, _H), lambda i: (0, 0)),
            pl.BlockSpec((1, _H), lambda i: (0, 0)),
        ],
        out_specs=[
            pl.BlockSpec((_BN, _HE), lambda i: (i, 0)),
            pl.BlockSpec((_BN, _H), lambda i: (i, 0)),
        ],
        out_shape=[
            jax.ShapeDtypeStruct((_N, _HE), jnp.float32),
            jax.ShapeDtypeStruct((_N, _H), jnp.float32),
        ],
    )(x, w_in, b_in, w_r, b_l)


def _sc_body(feat_hbm, edge_hbm, out_hbm,
             iring, tsrc_v, tdst_v, rbuf, acc_sh,
             isem0, isem1, isem2, isem3, gsem0, gsem1, tsem):
    c = lax.axis_index("c")
    s = lax.axis_index("s")
    w = s * _NC + c

    isems = [isem0, isem1, isem2, isem3]
    gsems = [gsem0, gsem1]

    def _icopies(chunk_j, slot):
        j = jnp.minimum(chunk_j, _NCHUNK - 1)
        off = w * _EPW + j * _CHUNK
        return (
            pltpu.make_async_copy(edge_hbm.at[0, pl.ds(off, _CHUNK)],
                                  iring.at[slot, 0], isems[slot]),
            pltpu.make_async_copy(edge_hbm.at[1, pl.ds(off, _CHUNK)],
                                  iring.at[slot, 1], isems[slot]),
        )

    def i_start(chunk_j, slot):
        for cp in _icopies(chunk_j, slot):
            cp.start()

    def i_wait(chunk_j, slot):
        for cp in _icopies(chunk_j, slot):
            cp.wait()

    def g_start(slot, rb):
        pltpu.make_async_copy(feat_hbm.at[iring.at[slot, 0]], rbuf.at[rb],
                              gsems[rb]).start()

    def g_wait(slot, rb):
        pltpu.make_async_copy(feat_hbm.at[iring.at[slot, 0]], rbuf.at[rb],
                              gsems[rb]).wait()

    def scat(slot, rb):
        pltpu.sync_copy(rbuf.at[rb], acc_sh.at[iring.at[slot, 1]], add=True)

    toff = w * _EPW + _NCHUNK * _CHUNK
    tcp0 = pltpu.make_async_copy(edge_hbm.at[0, pl.ds(toff, _ETAIL)],
                                 tsrc_v, tsem)
    tcp0.start()
    tcp1 = pltpu.make_async_copy(edge_hbm.at[1, pl.ds(toff, _ETAIL)],
                                 tdst_v, tsem)
    tcp1.start()

    for k in range(4):
        i_start(k, k)

    z = rbuf.at[1]
    def zrow(i, _):
        def zcol(j, _):
            z[i, pl.ds(j * 16, 16)] = jnp.zeros((16,), jnp.float32)
            return 0
        return lax.fori_loop(0, _HE // 16, zcol, 0)
    lax.fori_loop(0, _CHUNK, zrow, 0)

    i_wait(0, 0)
    g_start(0, 0)

    def zcp(t, _):
        pltpu.sync_copy(z, acc_sh.at[pl.ds(s * _RPS + t * _CHUNK, _CHUNK)])
        return 0
    lax.fori_loop(0, _RPS // _CHUNK, zcp, 0)

    ztail = _RPS - (_RPS // _CHUNK) * _CHUNK
    def zcp8(t, _):
        pltpu.sync_copy(
            z.at[pl.ds(0, 8)],
            acc_sh.at[pl.ds(s * _RPS + (_RPS // _CHUNK) * _CHUNK + t * 8, 8)])
        return 0
    lax.fori_loop(0, ztail // 8, zcp8, 0)
    plsc.subcore_barrier()


    def quad(g, _):
        base_c = 4 * g
        for k in range(4):
            nslot = (k + 1) % 4
            i_wait(base_c + k + 1, nslot)
            g_start(nslot, (k + 1) % 2)
            g_wait(k, k % 2)
            scat(k, k % 2)
            i_start(base_c + 4 + k, k)
        return 0
    lax.fori_loop(0, (_NCHUNK - 2) // 4, quad, 0)

    i_wait(_NCHUNK - 1, 1)
    g_start(1, 1)
    g_wait(0, 0)
    scat(0, 0)
    g_wait(1, 1)
    scat(1, 1)
    tcp0.wait()
    tcp1.wait()
    tbuf = rbuf.at[0].at[pl.ds(0, _ETAIL)]
    pltpu.async_copy(feat_hbm.at[tsrc_v], tbuf, gsem0).wait()
    pltpu.sync_copy(tbuf, acc_sh.at[tdst_v], add=True)
    i_wait(_NCHUNK, 2)
    i_wait(_NCHUNK + 1, 3)
    plsc.subcore_barrier()

    base = s * _RPS
    pltpu.sync_copy(acc_sh.at[pl.ds(base, _RPS)],
                    out_hbm.at[c, pl.ds(base, _RPS)])


_sc_agg = functools.partial(
    pl.kernel,
    out_type=jax.ShapeDtypeStruct((_NC, _AROWS, _HE), jnp.float32),
    mesh=plsc.VectorSubcoreMesh(core_axis_name="c", subcore_axis_name="s"),
    compiler_params=pltpu.CompilerParams(use_tc_tiling_on_sc=False),
    scratch_types=[
        pltpu.VMEM((4, 2, _CHUNK), jnp.int32),
        pltpu.VMEM((_ETAIL,), jnp.int32),
        pltpu.VMEM((_ETAIL,), jnp.int32),
        pltpu.VMEM((2, _CHUNK, _HE), jnp.float32),
        pltpu.VMEM_SHARED((_AROWS, _HE), jnp.float32),
        pltpu.SemaphoreType.DMA,
        pltpu.SemaphoreType.DMA,
        pltpu.SemaphoreType.DMA,
        pltpu.SemaphoreType.DMA,
        pltpu.SemaphoreType.DMA,
        pltpu.SemaphoreType.DMA,
        pltpu.SemaphoreType.DMA,
    ],
)(_sc_body)


def _post_body(p0_ref, p1_ref, base_ref, wl_ref, wcls_ref, out_ref, of_ref):
    acc = p0_ref[0, :, :_H] + p1_ref[0, :, :_H]
    cnt = p0_ref[0, :, _H:_H + 1] + p1_ref[0, :, _H:_H + 1]
    mean = acc / jnp.maximum(cnt, 1.0)
    of = jnp.dot(mean, wl_ref[...], preferred_element_type=jnp.float32)
    of = of + base_ref[...]
    of_ref[...] = of
    nrm = jnp.sqrt(jnp.sum(of * of, axis=1, keepdims=True))
    xn = of / jnp.maximum(nrm, 1e-12)
    wc = wcls_ref[...]
    wnrm = jnp.sqrt(jnp.sum(wc * wc, axis=0, keepdims=True))
    wn = wc / jnp.maximum(wnrm, 1e-12)
    out_ref[...] = _TEMP * jnp.dot(xn, wn, preferred_element_type=jnp.float32)


def _post(parts, base, w_l, w_cls):
    grid = _N // _BN
    return pl.pallas_call(
        _post_body,
        grid=(grid,),
        in_specs=[
            pl.BlockSpec((1, _BN, _HE), lambda i: (0, i, 0)),
            pl.BlockSpec((1, _BN, _HE), lambda i: (1, i, 0)),
            pl.BlockSpec((_BN, _H), lambda i: (i, 0)),
            pl.BlockSpec((_H, _H), lambda i: (0, 0)),
            pl.BlockSpec((_H, _C), lambda i: (0, 0)),
        ],
        out_specs=[
            pl.BlockSpec((_BN, _C), lambda i: (i, 0)),
            pl.BlockSpec((_BN, _H), lambda i: (i, 0)),
        ],
        out_shape=[
            jax.ShapeDtypeStruct((_N, _C), jnp.float32),
            jax.ShapeDtypeStruct((_N, _H), jnp.float32),
        ],
    )(parts, parts, base, w_l, w_cls)


def kernel(x, edge_index, W_in, b_in, W_l, b_l, W_r, W_cls):
    feat_ext, base = _pre(x, W_in, b_in.reshape(1, _H),
                          W_r, b_l.reshape(1, _H))
    parts = _sc_agg(feat_ext, edge_index)
    out, out_feat = _post(parts, base, W_l, W_cls)
    return (out, out_feat)

# --- scband reference (transcript-rebuilt; emitter-appended) ---
"""Pipeline reference for scband-vanilla-stellar-model-69999376990830 (READ-ONLY COPY).

The authoritative reference and input builder live on the scoring server;
editing this copy changes nothing except your own understanding.
"""

import jax, jax.numpy as jnp
import numpy as np

N = 10000
E = 320000
D = 128
H = 128
C = 20
TEMP = 10.0


def setup_inputs(seed: int = 0) -> dict:
    key = jax.random.key(seed)
    ks = jax.random.split(key, 8)
    x = jax.random.normal(ks[0], (N, D), dtype=jnp.float32)
    edge_index = jax.random.randint(ks[1], (2, E), 0, N, dtype=jnp.int32)
    W_in = jax.random.normal(ks[2], (D, H), dtype=jnp.float32) * (1.0 / np.sqrt(D))
    b_in = jnp.zeros((H,), dtype=jnp.float32)
    W_l = jax.random.normal(ks[3], (H, H), dtype=jnp.float32) * (1.0 / np.sqrt(H))
    b_l = jnp.zeros((H,), dtype=jnp.float32)
    W_r = jax.random.normal(ks[4], (H, H), dtype=jnp.float32) * (1.0 / np.sqrt(H))
    W_cls = jax.random.uniform(ks[5], (H, C), dtype=jnp.float32, minval=-1.0, maxval=1.0)
    return {"x": x, "edge_index": edge_index, "W_in": W_in, "b_in": b_in,
            "W_l": W_l, "b_l": b_l, "W_r": W_r, "W_cls": W_cls}


def _l2_normalize(v, axis):
    n = jnp.linalg.norm(v, axis=axis, keepdims=True)
    return v / jnp.clip(n, 1e-12)


def reference(x, edge_index, W_in, b_in, W_l, b_l, W_r, W_cls):
    # Encoder: input linear + ReLU
    feat = jax.nn.relu(x @ W_in + b_in)
    # SAGEConv with mean aggregation: out = lin_l(mean_agg) + lin_r(x)
    src = edge_index[0]
    dst = edge_index[1]
    msgs = jnp.take(feat, src, axis=0)
    agg = jax.ops.segment_sum(msgs, dst, num_segments=N)
    cnt = jax.ops.segment_sum(jnp.ones((E, 1), dtype=feat.dtype), dst, num_segments=N)
    mean_agg = agg / jnp.clip(cnt, 1.0)
    out_feat = mean_agg @ W_l + b_l + feat @ W_r
    # Normed classification head: temperature * normalize(x,dim=1) @ normalize(W,dim=0)
    xn = _l2_normalize(out_feat, axis=1)
    wn = _l2_normalize(W_cls, axis=0)
    out = TEMP * (xn @ wn)
    return (out, out_feat)

if __name__ == "__main__":
    import jax
    _d = setup_inputs()
    print(jax.jit(kernel)(*tuple(_d.values())))

</pallas_src>

<mosaic_0001>
#map = affine_map<(d0, d1) -> (0, 0)>
#map1 = affine_map<(d0, d1) -> (0, 0, 0)>
module attributes {stable_mosaic.version = 14 : i64} {
  func.func @_sc_body(%arg0: i32, %arg1: i32, %arg2: memref<10000x144xf32, #tpu.memory_space<hbm>>, %arg3: memref<2x320000xi32, #tpu.memory_space<hbm>>, %arg4: memref<2x10112x144xf32, #tpu.memory_space<hbm>>, %arg5: memref<4x2x128xi32, #tpu.memory_space<vmem>>, %arg6: memref<16xi32, #tpu.memory_space<vmem>>, %arg7: memref<16xi32, #tpu.memory_space<vmem>>, %arg8: memref<2x128x144xf32, #tpu.memory_space<vmem>>, %arg9: memref<10112x144xf32, #tpu.memory_space<vmem_shared>>, %arg10: memref<!tpu.dma_semaphore, #tpu.memory_space<semaphore_mem>>, %arg11: memref<!tpu.dma_semaphore, #tpu.memory_space<semaphore_mem>>, %arg12: memref<!tpu.dma_semaphore, #tpu.memory_space<semaphore_mem>>, %arg13: memref<!tpu.dma_semaphore, #tpu.memory_space<semaphore_mem>>, %arg14: memref<!tpu.dma_semaphore, #tpu.memory_space<semaphore_mem>>, %arg15: memref<!tpu.dma_semaphore, #tpu.memory_space<semaphore_mem>>, %arg16: memref<!tpu.dma_semaphore, #tpu.memory_space<semaphore_mem>>) attributes {dimension_semantics = [#tpu.dimension_semantics<core_parallel>, #tpu.dimension_semantics<subcore_parallel>], iteration_bounds = array<i64: 2, 16>, scalar_prefetch = 0 : i64, scratch_operands = 12 : i64, tpu.core_type = #tpu.core_type<sc_vector_subcore>, window_params = [{transform_indices = #map}, {transform_indices = #map}, {transform_indices = #map1}]} {
    %mul3A = arith.constant 2 : i32
    %mul3A_0 = arith.muli %arg1, %mul3A : i32
    %add3A = arith.addi %mul3A_0, %arg0 : i32
    %mul3A_1 = arith.constant 10000 : i32
    %mul3A_2 = arith.muli %add3A, %mul3A_1 : i32
    %add3A_3 = arith.constant 9984 : i32
    %add3A_4 = arith.addi %mul3A_2, %add3A_3 : i32
    %dma_start3A = arith.constant 0 : i32
    %dma_start3A_5 = tpu.memref_slice %arg3[%dma_start3A, %add3A_4] : memref<2x320000xi32, #tpu.memory_space<hbm>> -> memref<1x16xi32, #tpu.memory_space<hbm>>
    %dma_start3A_6 = tpu.memref_squeeze %dma_start3A_5 : memref<1x16xi32, #tpu.memory_space<hbm>> -> memref<16xi32, #tpu.memory_space<hbm>>
    %dma_start3A_7 = tpu.memref_slice %arg3[%dma_start3A, %add3A_4] : memref<2x320000xi32, #tpu.memory_space<hbm>> -> memref<1x16xi32, #tpu.memory_space<hbm>>
    %dma_start3A_8 = tpu.memref_squeeze %dma_start3A_7 : memref<1x16xi32, #tpu.memory_space<hbm>> -> memref<16xi32, #tpu.memory_space<hbm>>
    tpu.enqueue_dma source(%dma_start3A_8 : memref<16xi32, #tpu.memory_space<hbm>>) target(%arg6 : memref<16xi32, #tpu.memory_space<vmem>>) target_semaphore(%arg16 : memref<!tpu.dma_semaphore, #tpu.memory_space<semaphore_mem>>)
    %dma_start3A_9 = arith.constant 1 : i32
    %dma_start3A_10 = tpu.memref_slice %arg3[%dma_start3A_9, %add3A_4] : memref<2x320000xi32, #tpu.memory_space<hbm>> -> memref<1x16xi32, #tpu.memory_space<hbm>>
    %dma_start3A_11 = tpu.memref_squeeze %dma_start3A_10 : memref<1x16xi32, #tpu.memory_space<hbm>> -> memref<16xi32, #tpu.memory_space<hbm>>
    %dma_start3A_12 = tpu.memref_slice %arg3[%dma_start3A_9, %add3A_4] : memref<2x320000xi32, #tpu.memory_space<hbm>> -> memref<1x16xi32, #tpu.memory_space<hbm>>
    %dma_start3A_13 = tpu.memref_squeeze %dma_start3A_12 : memref<1x16xi32, #tpu.memory_space<hbm>> -> memref<16xi32, #tpu.memory_space<hbm>>
    tpu.enqueue_dma source(%dma_start3A_13 : memref<16xi32, #tpu.memory_space<hbm>>) target(%arg7 : memref<16xi32, #tpu.memory_space<vmem>>) target_semaphore(%arg16 : memref<!tpu.dma_semaphore, #tpu.memory_space<semaphore_mem>>)
    %min3A = arith.constant 0 : i32
    %min3A_14 = arith.constant 77 : i32
    %min3A_15 = arith.minsi %min3A, %min3A_14 : i32
    %mul3A_16 = arith.constant 10000 : i32
    %mul3A_17 = arith.muli %add3A, %mul3A_16 : i32
    %mul3A_18 = arith.constant 128 : i32
    %mul3A_19 = arith.muli %min3A_15, %mul3A_18 : i32
    %add3A_20 = arith.addi %mul3A_17, %mul3A_19 : i32
    %dma_start3A_21 = arith.constant 0 : i32
    %dma_start3A_22 = arith.constant 0 : i32
    %dma_start3A_23 = arith.constant 0 : i32
    %dma_start3A_24 = arith.constant 0 : i32
    %dma_start3A_25 = tpu.memref_slice %arg5[%dma_start3A_22, %dma_start3A_23, %dma_start3A_24] : memref<4x2x128xi32, #tpu.memory_space<vmem>> -> memref<1x1x128xi32, #tpu.memory_space<vmem>>
    %dma_start3A_26 = tpu.memref_squeeze %dma_start3A_25 : memref<1x1x128xi32, #tpu.memory_space<vmem>> -> memref<128xi32, #tpu.memory_space<vmem>>
    %dma_start3A_27 = tpu.memref_slice %arg3[%dma_start3A_21, %add3A_20] : memref<2x320000xi32, #tpu.memory_space<hbm>> -> memref<1x128xi32, #tpu.memory_space<hbm>>
    %dma_start3A_28 = tpu.memref_squeeze %dma_start3A_27 : memref<1x128xi32, #tpu.memory_space<hbm>> -> memref<128xi32, #tpu.memory_space<hbm>>
    %dma_start3A_29 = arith.constant 0 : i32
    %dma_start3A_30 = tpu.memref_slice %arg5[%dma_start3A_22, %dma_start3A_23, %dma_start3A_29] : memref<4x2x128xi32, #tpu.memory_space<vmem>> -> memref<1x1x128xi32, #tpu.memory_space<vmem>>
    %dma_start3A_31 = tpu.memref_squeeze %dma_start3A_30 : memref<1x1x128xi32, #tpu.memory_space<vmem>> -> memref<128xi32, #tpu.memory_space<vmem>>
    %dma_start3A_32 = tpu.memref_slice %arg3[%dma_start3A_21, %add3A_20] : memref<2x320000xi32, #tpu.memory_space<hbm>> -> memref<1x128xi32, #tpu.memory_space<hbm>>
    %dma_start3A_33 = tpu.memref_squeeze %dma_start3A_32 : memref<1x128xi32, #tpu.memory_space<hbm>> -> memref<128xi32, #tpu.memory_space<hbm>>
    tpu.enqueue_dma source(%dma_start3A_33 : memref<128xi32, #tpu.memory_space<hbm>>) target(%dma_start3A_31 : memref<128xi32, #tpu.memory_space<vmem>>) target_semaphore(%arg10 : memref<!tpu.dma_semaphore, #tpu.memory_space<semaphore_mem>>)
    %dma_start3A_34 = arith.constant 1 : i32
    %dma_start3A_35 = arith.constant 0 : i32
    %dma_start3A_36 = arith.constant 1 : i32
    %dma_start3A_37 = arith.constant 0 : i32
    %dma_start3A_38 = tpu.memref_slice %arg5[%dma_start3A_35, %dma_start3A_36, %dma_start3A_37] : memref<4x2x128xi32, #tpu.memory_space<vmem>> -> memref<1x1x128xi32, #tpu.memory_space<vmem>>
    %dma_start3A_39 = tpu.memref_squeeze %dma_start3A_38 : memref<1x1x128xi32, #tpu.memory_space<vmem>> -> memref<128xi32, #tpu.memory_space<vmem>>
    %dma_start3A_40 = tpu.memref_slice %arg3[%dma_start3A_34, %add3A_20] : memref<2x320000xi32, #tpu.memory_space<hbm>> -> memref<1x128xi32, #tpu.memory_space<hbm>>
    %dma_start3A_41 = tpu.memref_squeeze %dma_start3A_40 : memref<1x128xi32, #tpu.memory_space<hbm>> -> memref<128xi32, #tpu.memory_space<hbm>>
    %dma_start3A_42 = arith.constant 0 : i32
    %dma_start3A_43 = tpu.memref_slice %arg5[%dma_start3A_35, %dma_start3A_36, %dma_start3A_42] : memref<4x2x128xi32, #tpu.memory_space<vmem>> -> memref<1x1x128xi32, #tpu.memory_space<vmem>>
    %dma_start3A_44 = tpu.memref_squeeze %dma_start3A_43 : memref<1x1x128xi32, #tpu.memory_space<vmem>> -> memref<128xi32, #tpu.memory_space<vmem>>
    %dma_start3A_45 = tpu.memref_slice %arg3[%dma_start3A_34, %add3A_20] : memref<2x320000xi32, #tpu.memory_space<hbm>> -> memref<1x128xi32, #tpu.memory_space<hbm>>
    %dma_start3A_46 = tpu.memref_squeeze %dma_start3A_45 : memref<1x128xi32, #tpu.memory_space<hbm>> -> memref<128xi32, #tpu.memory_space<hbm>>
    tpu.enqueue_dma source(%dma_start3A_46 : memref<128xi32, #tpu.memory_space<hbm>>) target(%dma_start3A_44 : memref<128xi32, #tpu.memory_space<vmem>>) target_semaphore(%arg10 : memref<!tpu.dma_semaphore, #tpu.memory_space<semaphore_mem>>)
    %min3A_47 = arith.constant 1 : i32
    %min3A_48 = arith.constant 77 : i32
    %min3A_49 = arith.minsi %min3A_47, %min3A_48 : i32
    %mul3A_50 = arith.constant 10000 : i32
    %mul3A_51 = arith.muli %add3A, %mul3A_50 : i32
    %mul3A_52 = arith.constant 128 : i32
    %mul3A_53 = arith.muli %min3A_49, %mul3A_52 : i32
    %add3A_54 = arith.addi %mul3A_51, %mul3A_53 : i32
    %dma_start3A_55 = arith.constant 0 : i32
    %dma_start3A_56 = arith.constant 1 : i32
    %dma_start3A_57 = arith.constant 0 : i32
    %dma_start3A_58 = arith.constant 0 : i32
    %dma_start3A_59 = tpu.memref_slice %arg5[%dma_start3A_56, %dma_start3A_57, %dma_start3A_58] : memref<4x2x128xi32, #tpu.memory_space<vmem>> -> memref<1x1x128xi32, #tpu.memory_space<vmem>>
    %dma_start3A_60 = tpu.memref_squeeze %dma_start3A_59 : memref<1x1x128xi32, #tpu.memory_space<vmem>> -> memref<128xi32, #tpu.memory_space<vmem>>
    %dma_start3A_61 = tpu.memref_slice %arg3[%dma_start3A_55, %add3A_54] : memref<2x320000xi32, #tpu.memory_space<hbm>> -> memref<1x128xi32, #tpu.memory_space<hbm>>
    %dma_start3A_62 = tpu.memref_squeeze %dma_start3A_61 : memref<1x128xi32, #tpu.memory_space<hbm>> -> memref<128xi32, #tpu.memory_space<hbm>>
    %dma_start3A_63 = arith.constant 0 : i32
    %dma_start3A_64 = tpu.memref_slice %arg5[%dma_start3A_56, %dma_start3A_57, %dma_start3A_63] : memref<4x2x128xi32, #tpu.memory_space<vmem>> -> memref<1x1x128xi32, #tpu.memory_space<vmem>>
    %dma_start3A_65 = tpu.memref_squeeze %dma_start3A_64 : memref<1x1x128xi32, #tpu.memory_space<vmem>> -> memref<128xi32, #tpu.memory_space<vmem>>
    %dma_start3A_66 = tpu.memref_slice %arg3[%dma_start3A_55, %add3A_54] : memref<2x320000xi32, #tpu.memory_space<hbm>> -> memref<1x128xi32, #tpu.memory_space<hbm>>
    %dma_start3A_67 = tpu.memref_squeeze %dma_start3A_66 : memref<1x128xi32, #tpu.memory_space<hbm>> -> memref<128xi32, #tpu.memory_space<hbm>>
    tpu.enqueue_dma source(%dma_start3A_67 : memref<128xi32, #tpu.memory_space<hbm>>) target(%dma_start3A_65 : memref<128xi32, #tpu.memory_space<vmem>>) target_semaphore(%arg11 : memref<!tpu.dma_semaphore, #tpu.memory_space<semaphore_mem>>)
    %dma_start3A_68 = arith.constant 1 : i32
    %dma_start3A_69 = arith.constant 1 : i32
    %dma_start3A_70 = arith.constant 1 : i32
    %dma_start3A_71 = arith.constant 0 : i32
    %dma_start3A_72 = tpu.memref_slice %arg5[%dma_start3A_69, %dma_start3A_70, %dma_start3A_71] : memref<4x2x128xi32, #tpu.memory_space<vmem>> -> memref<1x1x128xi32, #tpu.memory_space<vmem>>
    %dma_start3A_73 = tpu.memref_squeeze %dma_start3A_72 : memref<1x1x128xi32, #tpu.memory_space<vmem>> -> memref<128xi32, #tpu.memory_space<vmem>>
    %dma_start3A_74 = tpu.memref_slice %arg3[%dma_start3A_68, %add3A_54] : memref<2x320000xi32, #tpu.memory_space<hbm>> -> memref<1x128xi32, #tpu.memory_space<hbm>>
    %dma_start3A_75 = tpu.memref_squeeze %dma_start3A_74 : memref<1x128xi32, #tpu.memory_space<hbm>> -> memref<128xi32, #tpu.memory_space<hbm>>
    %dma_start3A_76 = arith.constant 0 : i32
    %dma_start3A_77 = tpu.memref_slice %arg5[%dma_start3A_69, %dma_start3A_70, %dma_start3A_76] : memref<4x2x128xi32, #tpu.memory_space<vmem>> -> memref<1x1x128xi32, #tpu.memory_space<vmem>>
    %dma_start3A_78 = tpu.memref_squeeze %dma_start3A_77 : memref<1x1x128xi32, #tpu.memory_space<vmem>> -> memref<128xi32, #tpu.memory_space<vmem>>
    %dma_start3A_79 = tpu.memref_slice %arg3[%dma_start3A_68, %add3A_54] : memref<2x320000xi32, #tpu.memory_space<hbm>> -> memref<1x128xi32, #tpu.memory_space<hbm>>
    %dma_start3A_80 = tpu.memref_squeeze %dma_start3A_79 : memref<1x128xi32, #tpu.memory_space<hbm>> -> memref<128xi32, #tpu.memory_space<hbm>>
    tpu.enqueue_dma source(%dma_start3A_80 : memref<128xi32, #tpu.memory_space<hbm>>) target(%dma_start3A_78 : memref<128xi32, #tpu.memory_space<vmem>>) target_semaphore(%arg11 : memref<!tpu.dma_semaphore, #tpu.memory_space<semaphore_mem>>)
    %min3A_81 = arith.constant 2 : i32
    %min3A_82 = arith.constant 77 : i32
    %min3A_83 = arith.minsi %min3A_81, %min3A_82 : i32
    %mul3A_84 = arith.constant 10000 : i32
    %mul3A_85 = arith.muli %add3A, %mul3A_84 : i32
    %mul3A_86 = arith.constant 128 : i32
    %mul3A_87 = arith.muli %min3A_83, %mul3A_86 : i32
    %add3A_88 = arith.addi %mul3A_85, %mul3A_87 : i32
    %dma_start3A_89 = arith.constant 0 : i32
    %dma_start3A_90 = arith.constant 2 : i32
    %dma_start3A_91 = arith.constant 0 : i32
    %dma_start3A_92 = arith.constant 0 : i32
    %dma_start3A_93 = tpu.memref_slice %arg5[%dma_start3A_90, %dma_start3A_91, %dma_start3A_92] : memref<4x2x128xi32, #tpu.memory_space<vmem>> -> memref<1x1x128xi32, #tpu.memory_space<vmem>>
    %dma_start3A_94 = tpu.memref_squeeze %dma_start3A_93 : memref<1x1x128xi32, #tpu.memory_space<vmem>> -> memref<128xi32, #tpu.memory_space<vmem>>
    %dma_start3A_95 = tpu.memref_slice %arg3[%dma_start3A_89, %add3A_88] : memref<2x320000xi32, #tpu.memory_space<hbm>> -> memref<1x128xi32, #tpu.memory_space<hbm>>
    %dma_start3A_96 = tpu.memref_squeeze %dma_start3A_95 : memref<1x128xi32, #tpu.memory_space<hbm>> -> memref<128xi32, #tpu.memory_space<hbm>>
    %dma_start3A_97 = arith.constant 0 : i32
    %dma_start3A_98 = tpu.memref_slice %arg5[%dma_start3A_90, %dma_start3A_91, %dma_start3A_97] : memref<4x2x128xi32, #tpu.memory_space<vmem>> -> memref<1x1x128xi32, #tpu.memory_space<vmem>>
    %dma_start3A_99 = tpu.memref_squeeze %dma_start3A_98 : memref<1x1x128xi32, #tpu.memory_space<vmem>> -> memref<128xi32, #tpu.memory_space<vmem>>
    %dma_start3A_100 = tpu.memref_slice %arg3[%dma_start3A_89, %add3A_88] : memref<2x320000xi32, #tpu.memory_space<hbm>> -> memref<1x128xi32, #tpu.memory_space<hbm>>
    %dma_start3A_101 = tpu.memref_squeeze %dma_start3A_100 : memref<1x128xi32, #tpu.memory_space<hbm>> -> memref<128xi32, #tpu.memory_space<hbm>>
    tpu.enqueue_dma source(%dma_start3A_101 : memref<128xi32, #tpu.memory_space<hbm>>) target(%dma_start3A_99 : memref<128xi32, #tpu.memory_space<vmem>>) target_semaphore(%arg12 : memref<!tpu.dma_semaphore, #tpu.memory_space<semaphore_mem>>)
    %dma_start3A_102 = arith.constant 1 : i32
    %dma_start3A_103 = arith.constant 2 : i32
    %dma_start3A_104 = arith.constant 1 : i32
    %dma_start3A_105 = arith.constant 0 : i32
    %dma_start3A_106 = tpu.memref_slice %arg5[%dma_start3A_103, %dma_start3A_104, %dma_start3A_105] : memref<4x2x128xi32, #tpu.memory_space<vmem>> -> memref<1x1x128xi32, #tpu.memory_space<vmem>>
    %dma_start3A_107 = tpu.memref_squeeze %dma_start3A_106 : memref<1x1x128xi32, #tpu.memory_space<vmem>> -> memref<128xi32, #tpu.memory_space<vmem>>
    %dma_start3A_108 = tpu.memref_slice %arg3[%dma_start3A_102, %add3A_88] : memref<2x320000xi32, #tpu.memory_space<hbm>> -> memref<1x128xi32, #tpu.memory_space<hbm>>
    %dma_start3A_109 = tpu.memref_squeeze %dma_start3A_108 : memref<1x128xi32, #tpu.memory_space<hbm>> -> memref<128xi32, #tpu.memory_space<hbm>>
    %dma_start3A_110 = arith.constant 0 : i32
    %dma_start3A_111 = tpu.memref_slice %arg5[%dma_start3A_103, %dma_start3A_104, %dma_start3A_110] : memref<4x2x128xi32, #tpu.memory_space<vmem>> -> memref<1x1x128xi32, #tpu.memory_space<vmem>>
    %dma_start3A_112 = tpu.memref_squeeze %dma_start3A_111 : memref<1x1x128xi32, #tpu.memory_space<vmem>> -> memref<128xi32, #tpu.memory_space<vmem>>
    %dma_start3A_113 = tpu.memref_slice %arg3[%dma_start3A_102, %add3A_88] : memref<2x320000xi32, #tpu.memory_space<hbm>> -> memref<1x128xi32, #tpu.memory_space<hbm>>
    %dma_start3A_114 = tpu.memref_squeeze %dma_start3A_113 : memref<1x128xi32, #tpu.memory_space<hbm>> -> memref<128xi32, #tpu.memory_space<hbm>>
    tpu.enqueue_dma source(%dma_start3A_114 : memref<128xi32, #tpu.memory_space<hbm>>) target(%dma_start3A_112 : memref<128xi32, #tpu.memory_space<vmem>>) target_semaphore(%arg12 : memref<!tpu.dma_semaphore, #tpu.memory_space<semaphore_mem>>)
    %min3A_115 = arith.constant 3 : i32
    %min3A_116 = arith.constant 77 : i32
    %min3A_117 = arith.minsi %min3A_115, %min3A_116 : i32
    %mul3A_118 = arith.constant 10000 : i32
    %mul3A_119 = arith.muli %add3A, %mul3A_118 : i32
    %mul3A_120 = arith.constant 128 : i32
    %mul3A_121 = arith.muli %min3A_117, %mul3A_120 : i32
    %add3A_122 = arith.addi %mul3A_119, %mul3A_121 : i32
    %dma_start3A_123 = arith.constant 0 : i32
    %dma_start3A_124 = arith.constant 3 : i32
    %dma_start3A_125 = arith.constant 0 : i32
    %dma_start3A_126 = arith.constant 0 : i32
    %dma_start3A_127 = tpu.memref_slice %arg5[%dma_start3A_124, %dma_start3A_125, %dma_start3A_126] : memref<4x2x128xi32, #tpu.memory_space<vmem>> -> memref<1x1x128xi32, #tpu.memory_space<vmem>>
    %dma_start3A_128 = tpu.memref_squeeze %dma_start3A_127 : memref<1x1x128xi32, #tpu.memory_space<vmem>> -> memref<128xi32, #tpu.memory_space<vmem>>
    %dma_start3A_129 = tpu.memref_slice %arg3[%dma_start3A_123, %add3A_122] : memref<2x320000xi32, #tpu.memory_space<hbm>> -> memref<1x128xi32, #tpu.memory_space<hbm>>
    %dma_start3A_130 = tpu.memref_squeeze %dma_start3A_129 : memref<1x128xi32, #tpu.memory_space<hbm>> -> memref<128xi32, #tpu.memory_space<hbm>>
    %dma_start3A_131 = arith.constant 0 : i32
    %dma_start3A_132 = tpu.memref_slice %arg5[%dma_start3A_124, %dma_start3A_125, %dma_start3A_131] : memref<4x2x128xi32, #tpu.memory_space<vmem>> -> memref<1x1x128xi32, #tpu.memory_space<vmem>>
    %dma_start3A_133 = tpu.memref_squeeze %dma_start3A_132 : memref<1x1x128xi32, #tpu.memory_space<vmem>> -> memref<128xi32, #tpu.memory_space<vmem>>
    %dma_start3A_134 = tpu.memref_slice %arg3[%dma_start3A_123, %add3A_122] : memref<2x320000xi32, #tpu.memory_space<hbm>> -> memref<1x128xi32, #tpu.memory_space<hbm>>
    %dma_start3A_135 = tpu.memref_squeeze %dma_start3A_134 : memref<1x128xi32, #tpu.memory_space<hbm>> -> memref<128xi32, #tpu.memory_space<hbm>>
    tpu.enqueue_dma source(%dma_start3A_135 : memref<128xi32, #tpu.memory_space<hbm>>) target(%dma_start3A_133 : memref<128xi32, #tpu.memory_space<vmem>>) target_semaphore(%arg13 : memref<!tpu.dma_semaphore, #tpu.memory_space<semaphore_mem>>)
    %dma_start3A_136 = arith.constant 1 : i32
    %dma_start3A_137 = arith.constant 3 : i32
    %dma_start3A_138 = arith.constant 1 : i32
    %dma_start3A_139 = arith.constant 0 : i32
    %dma_start3A_140 = tpu.memref_slice %arg5[%dma_start3A_137, %dma_start3A_138, %dma_start3A_139] : memref<4x2x128xi32, #tpu.memory_space<vmem>> -> memref<1x1x128xi32, #tpu.memory_space<vmem>>
    %dma_start3A_141 = tpu.memref_squeeze %dma_start3A_140 : memref<1x1x128xi32, #tpu.memory_space<vmem>> -> memref<128xi32, #tpu.memory_space<vmem>>
    %dma_start3A_142 = tpu.memref_slice %arg3[%dma_start3A_136, %add3A_122] : memref<2x320000xi32, #tpu.memory_space<hbm>> -> memref<1x128xi32, #tpu.memory_space<hbm>>
    %dma_start3A_143 = tpu.memref_squeeze %dma_start3A_142 : memref<1x128xi32, #tpu.memory_space<hbm>> -> memref<128xi32, #tpu.memory_space<hbm>>
    %dma_start3A_144 = arith.constant 0 : i32
    %dma_start3A_145 = tpu.memref_slice %arg5[%dma_start3A_137, %dma_start3A_138, %dma_start3A_144] : memref<4x2x128xi32, #tpu.memory_space<vmem>> -> memref<1x1x128xi32, #tpu.memory_space<vmem>>
    %dma_start3A_146 = tpu.memref_squeeze %dma_start3A_145 : memref<1x1x128xi32, #tpu.memory_space<vmem>> -> memref<128xi32, #tpu.memory_space<vmem>>
    %dma_start3A_147 = tpu.memref_slice %arg3[%dma_start3A_136, %add3A_122] : memref<2x320000xi32, #tpu.memory_space<hbm>> -> memref<1x128xi32, #tpu.memory_space<hbm>>
    %dma_start3A_148 = tpu.memref_squeeze %dma_start3A_147 : memref<1x128xi32, #tpu.memory_space<hbm>> -> memref<128xi32, #tpu.memory_space<hbm>>
    tpu.enqueue_dma source(%dma_start3A_148 : memref<128xi32, #tpu.memory_space<hbm>>) target(%dma_start3A_146 : memref<128xi32, #tpu.memory_space<vmem>>) target_semaphore(%arg13 : memref<!tpu.dma_semaphore, #tpu.memory_space<semaphore_mem>>)
    %scan3A = arith.constant 1 : i32
    %scan3A_149 = arith.constant 0 : i32
    %scan3A_150 = arith.constant 0 : i32
    %scan3A_151 = arith.constant 128 : i32
    %scan3A_152 = arith.addi %scan3A_150, %scan3A_151 : i32
    %scan3A_153 = arith.constant 1 : i32
    %scan3A_154 = scf.for %scan3A_407 = %scan3A_150 to %scan3A_152 step %scan3A_153 iter_args(%scan3A_408 = %scan3A_149) -> (i32)  : i32 {
      %scan3A_409 = arith.constant 0 : i32
      %scan3A_410 = arith.constant 0 : i32
      %scan3A_411 = arith.constant 9 : i32
      %scan3A_412 = arith.addi %scan3A_410, %scan3A_411 : i32
      %scan3A_413 = arith.constant 1 : i32
      %scan3A_414 = scf.for %scan3A_416 = %scan3A_410 to %scan3A_412 step %scan3A_413 iter_args(%scan3A_417 = %scan3A_409) -> (i32)  : i32 {
        %broadcast_in_dim3A = arith.constant 0.000000e+00 : f32
        %broadcast_in_dim3A_418 = vector.broadcast %broadcast_in_dim3A : f32 to vector<16xf32>
        %mul3A_419 = arith.constant 16 : i32
        %mul3A_420 = arith.muli %scan3A_416, %mul3A_419 : i32
        %swap3A = arith.constant 0 : i32
        %swap3A_421 = arith.constant 0 : i32
        %swap3A_422 = tpu.memref_slice %arg8[%scan3A, %swap3A, %swap3A_421] : memref<2x128x144xf32, #tpu.memory_space<vmem>> -> memref<1x128x144xf32, #tpu.memory_space<vmem>>
        %swap3A_423 = tpu.memref_squeeze %swap3A_422 : memref<1x128x144xf32, #tpu.memory_space<vmem>> -> memref<128x144xf32, #tpu.memory_space<vmem>>
        %swap3A_424 = arith.index_cast %scan3A_407 : i32 to index
        %swap3A_425 = arith.index_cast %mul3A_420 : i32 to index
        %swap3A_426 = tpu.vector_load %swap3A_423[%swap3A_424, %swap3A_425] {strides = array<i32>} : memref<128x144xf32, #tpu.memory_space<vmem>>, vector<1x16xf32>,
        %swap3A_427 = vector.shape_cast %swap3A_426 : vector<1x16xf32> to vector<16xf32>
        %swap3A_428 = vector.shape_cast %broadcast_in_dim3A_418 : vector<16xf32> to vector<1x16xf32>
        tpu.vector_store %swap3A_423[%swap3A_424, %swap3A_425], %swap3A_428 {strides = array<i32>} : memref<128x144xf32, #tpu.memory_space<vmem>>, vector<1x16xf32>,
        %scan3A_429 = arith.constant 0 : i32
        scf.yield %scan3A_429 : i32
      }
      %scan3A_415 = arith.constant 9 : i32
      scf.yield %scan3A_414 : i32
    }
    %scan3A_155 = arith.constant 128 : i32
    %min3A_156 = arith.constant 0 : i32
    %min3A_157 = arith.constant 77 : i32
    %min3A_158 = arith.minsi %min3A_156, %min3A_157 : i32
    %mul3A_159 = arith.constant 10000 : i32
    %mul3A_160 = arith.muli %add3A, %mul3A_159 : i32
    %mul3A_161 = arith.constant 128 : i32
    %mul3A_162 = arith.muli %min3A_158, %mul3A_161 : i32
    %add3A_163 = arith.addi %mul3A_160, %mul3A_162 : i32
    %dma_wait3A = arith.constant 0 : i32
    %dma_wait3A_164 = arith.constant 0 : i32
    %dma_wait3A_165 = arith.constant 0 : i32
    %dma_wait3A_166 = arith.constant 0 : i32
    %dma_wait3A_167 = tpu.memref_slice %arg5[%dma_wait3A_164, %dma_wait3A_165, %dma_wait3A_166] : memref<4x2x128xi32, #tpu.memory_space<vmem>> -> memref<1x1x128xi32, #tpu.memory_space<vmem>>
    %dma_wait3A_168 = tpu.memref_squeeze %dma_wait3A_167 : memref<1x1x128xi32, #tpu.memory_space<vmem>> -> memref<128xi32, #tpu.memory_space<vmem>>
    %dma_wait3A_169 = tpu.memref_slice %arg3[%dma_wait3A, %add3A_163] : memref<2x320000xi32, #tpu.memory_space<hbm>> -> memref<1x128xi32, #tpu.memory_space<hbm>>
    %dma_wait3A_170 = tpu.memref_squeeze %dma_wait3A_169 : memref<1x128xi32, #tpu.memory_space<hbm>> -> memref<128xi32, #tpu.memory_space<hbm>>
    %dma_wait3A_171 = arith.constant 0 : i32
    %dma_wait3A_172 = tpu.memref_slice %arg5[%dma_wait3A_164, %dma_wait3A_165, %dma_wait3A_171] : memref<4x2x128xi32, #tpu.memory_space<vmem>> -> memref<1x1x128xi32, #tpu.memory_space<vmem>>
    %dma_wait3A_173 = tpu.memref_squeeze %dma_wait3A_172 : memref<1x1x128xi32, #tpu.memory_space<vmem>> -> memref<128xi32, #tpu.memory_space<vmem>>
    %dma_wait3A_174 = tpu.memref_slice %arg3[%dma_wait3A, %add3A_163] : memref<2x320000xi32, #tpu.memory_space<hbm>> -> memref<1x128xi32, #tpu.memory_space<hbm>>
    %dma_wait3A_175 = tpu.memref_squeeze %dma_wait3A_174 : memref<1x128xi32, #tpu.memory_space<hbm>> -> memref<128xi32, #tpu.memory_space<hbm>>
    tpu.wait_dma2 semaphore(%arg10 : memref<!tpu.dma_semaphore, #tpu.memory_space<semaphore_mem>>) src(%dma_wait3A_175 : memref<128xi32, #tpu.memory_space<hbm>>) dst(%dma_wait3A_173 : memref<128xi32, #tpu.memory_space<vmem>>)
    %dma_wait3A_176 = arith.constant 1 : i32
    %dma_wait3A_177 = arith.constant 0 : i32
    %dma_wait3A_178 = arith.constant 1 : i32
    %dma_wait3A_179 = arith.constant 0 : i32
    %dma_wait3A_180 = tpu.memref_slice %arg5[%dma_wait3A_177, %dma_wait3A_178, %dma_wait3A_179] : memref<4x2x128xi32, #tpu.memory_space<vmem>> -> memref<1x1x128xi32, #tpu.memory_space<vmem>>
    %dma_wait3A_181 = tpu.memref_squeeze %dma_wait3A_180 : memref<1x1x128xi32, #tpu.memory_space<vmem>> -> memref<128xi32, #tpu.memory_space<vmem>>
    %dma_wait3A_182 = tpu.memref_slice %arg3[%dma_wait3A_176, %add3A_163] : memref<2x320000xi32, #tpu.memory_space<hbm>> -> memref<1x128xi32, #tpu.memory_space<hbm>>
    %dma_wait3A_183 = tpu.memref_squeeze %dma_wait3A_182 : memref<1x128xi32, #tpu.memory_space<hbm>> -> memref<128xi32, #tpu.memory_space<hbm>>
    %dma_wait3A_184 = arith.constant 0 : i32
    %dma_wait3A_185 = tpu.memref_slice %arg5[%dma_wait3A_177, %dma_wait3A_178, %dma_wait3A_184] : memref<4x2x128xi32, #tpu.memory_space<vmem>> -> memref<1x1x128xi32, #tpu.memory_space<vmem>>
    %dma_wait3A_186 = tpu.memref_squeeze %dma_wait3A_185 : memref<1x1x128xi32, #tpu.memory_space<vmem>> -> memref<128xi32, #tpu.memory_space<vmem>>
    %dma_wait3A_187 = tpu.memref_slice %arg3[%dma_wait3A_176, %add3A_163] : memref<2x320000xi32, #tpu.memory_space<hbm>> -> memref<1x128xi32, #tpu.memory_space<hbm>>
    %dma_wait3A_188 = tpu.memref_squeeze %dma_wait3A_187 : memref<1x128xi32, #tpu.memory_space<hbm>> -> memref<128xi32, #tpu.memory_space<hbm>>
    tpu.wait_dma2 semaphore(%arg10 : memref<!tpu.dma_semaphore, #tpu.memory_space<semaphore_mem>>) src(%dma_wait3A_188 : memref<128xi32, #tpu.memory_space<hbm>>) dst(%dma_wait3A_186 : memref<128xi32, #tpu.memory_space<vmem>>)
    %dma_start3A_189 = arith.constant 0 : i32
    %dma_start3A_190 = arith.constant 0 : i32
    %dma_start3A_191 = arith.constant 0 : i32
    %dma_start3A_192 = arith.constant 0 : i32
    %dma_start3A_193 = arith.constant 0 : i32
    %dma_start3A_194 = tpu.memref_slice %arg8[%dma_start3A_191, %dma_start3A_192, %dma_start3A_193] : memref<2x128x144xf32, #tpu.memory_space<vmem>> -> memref<1x128x144xf32, #tpu.memory_space<vmem>>
    %dma_start3A_195 = tpu.memref_squeeze %dma_start3A_194 : memref<1x128x144xf32, #tpu.memory_space<vmem>> -> memref<128x144xf32, #tpu.memory_space<vmem>>
    %dma_start3A_196 = arith.constant 0 : i32
    %dma_start3A_197 = tpu.memref_slice %arg5[%dma_start3A_189, %dma_start3A_190, %dma_start3A_196] : memref<4x2x128xi32, #tpu.memory_space<vmem>> -> memref<1x1x128xi32, #tpu.memory_space<vmem>>
    %dma_start3A_198 = tpu.memref_squeeze %dma_start3A_197 : memref<1x1x128xi32, #tpu.memory_space<vmem>> -> memref<128xi32, #tpu.memory_space<vmem>>
    %dma_start3A_199 = arith.constant 0 : i32
    %dma_start3A_200 = arith.constant 0 : i32
    %dma_start3A_201 = tpu.memref_slice %arg2[%dma_start3A_199, %dma_start3A_200] : memref<10000x144xf32, #tpu.memory_space<hbm>> -> memref<10000x144xf32, #tpu.memory_space<hbm>>
    tpu.enqueue_indirect_dma source(%dma_start3A_201 : memref<10000x144xf32, #tpu.memory_space<hbm>>) target(%dma_start3A_195 : memref<128x144xf32, #tpu.memory_space<vmem>>) offsets(%dma_start3A_198 : memref<128xi32, #tpu.memory_space<vmem>>) semaphore(%arg14 : memref<!tpu.dma_semaphore, #tpu.memory_space<semaphore_mem>>)
    %scan3A_202 = arith.constant 1 : i32
    %scan3A_203 = arith.constant 0 : i32
    %scan3A_204 = arith.constant 0 : i32
    %scan3A_205 = arith.constant 4 : i32
    %scan3A_206 = arith.addi %scan3A_204, %scan3A_205 : i32
    %scan3A_207 = arith.constant 1 : i32
    %scan3A_208 = scf.for %scan3A_407 = %scan3A_204 to %scan3A_206 step %scan3A_207 iter_args(%scan3A_408 = %scan3A_203) -> (i32)  : i32 {
      %mul3A_409 = arith.constant 632 : i32
      %mul3A_410 = arith.muli %arg1, %mul3A_409 : i32
      %mul3A_411 = arith.constant 128 : i32
      %mul3A_412 = arith.muli %scan3A_407, %mul3A_411 : i32
      %add3A_413 = arith.addi %mul3A_410, %mul3A_412 : i32
      "tpu.region"() ({
        %run_scoped3A_415 = tpu.sem_alloc : memref<!tpu.dma_semaphore, #tpu.memory_space<semaphore_mem>>
        %dma_start3A_416 = arith.constant 0 : i32
        %dma_start3A_417 = arith.constant 0 : i32
        %dma_start3A_418 = tpu.memref_slice %arg8[%scan3A_202, %dma_start3A_416, %dma_start3A_417] : memref<2x128x144xf32, #tpu.memory_space<vmem>> -> memref<1x128x144xf32, #tpu.memory_space<vmem>>
        %dma_start3A_419 = tpu.memref_squeeze %dma_start3A_418 : memref<1x128x144xf32, #tpu.memory_space<vmem>> -> memref<128x144xf32, #tpu.memory_space<vmem>>
        %dma_start3A_420 = arith.constant 0 : i32
        %dma_start3A_421 = tpu.memref_slice %arg9[%add3A_413, %dma_start3A_420] : memref<10112x144xf32, #tpu.memory_space<vmem_shared>> -> memref<128x144xf32, #tpu.memory_space<vmem_shared>>
        %dma_start3A_422 = arith.constant 0 : i32
        %dma_start3A_423 = tpu.memref_slice %arg9[%add3A_413, %dma_start3A_422] : memref<10112x144xf32, #tpu.memory_space<vmem_shared>> -> memref<128x144xf32, #tpu.memory_space<vmem_shared>>
        %dma_start3A_424 = arith.constant 0 : i32
        %dma_start3A_425 = arith.constant 0 : i32
        %dma_start3A_426 = tpu.memref_slice %arg8[%scan3A_202, %dma_start3A_424, %dma_start3A_425] : memref<2x128x144xf32, #tpu.memory_space<vmem>> -> memref<1x128x144xf32, #tpu.memory_space<vmem>>
        %dma_start3A_427 = tpu.memref_squeeze %dma_start3A_426 : memref<1x128x144xf32, #tpu.memory_space<vmem>> -> memref<128x144xf32, #tpu.memory_space<vmem>>
        tpu.enqueue_dma source(%dma_start3A_427 : memref<128x144xf32, #tpu.memory_space<vmem>>) target(%dma_start3A_423 : memref<128x144xf32, #tpu.memory_space<vmem_shared>>) target_semaphore(%run_scoped3A_415 : memref<!tpu.dma_semaphore, #tpu.memory_space<semaphore_mem>>)
        %dma_wait3A_428 = arith.constant 0 : i32
        %dma_wait3A_429 = arith.constant 0 : i32
        %dma_wait3A_430 = tpu.memref_slice %arg8[%scan3A_202, %dma_wait3A_428, %dma_wait3A_429] : memref<2x128x144xf32, #tpu.memory_space<vmem>> -> memref<1x128x144xf32, #tpu.memory_space<vmem>>
        %dma_wait3A_431 = tpu.memref_squeeze %dma_wait3A_430 : memref<1x128x144xf32, #tpu.memory_space<vmem>> -> memref<128x144xf32, #tpu.memory_space<vmem>>
        %dma_wait3A_432 = arith.constant 0 : i32
        %dma_wait3A_433 = tpu.memref_slice %arg9[%add3A_413, %dma_wait3A_432] : memref<10112x144xf32, #tpu.memory_space<vmem_shared>> -> memref<128x144xf32, #tpu.memory_space<vmem_shared>>
        %dma_wait3A_434 = arith.constant 0 : i32
        %dma_wait3A_435 = tpu.memref_slice %arg9[%add3A_413, %dma_wait3A_434] : memref<10112x144xf32, #tpu.memory_space<vmem_shared>> -> memref<128x144xf32, #tpu.memory_space<vmem_shared>>
        %dma_wait3A_436 = arith.constant 0 : i32
        %dma_wait3A_437 = arith.constant 0 : i32
        %dma_wait3A_438 = tpu.memref_slice %arg8[%scan3A_202, %dma_wait3A_436, %dma_wait3A_437] : memref<2x128x144xf32, #tpu.memory_space<vmem>> -> memref<1x128x144xf32, #tpu.memory_space<vmem>>
        %dma_wait3A_439 = tpu.memref_squeeze %dma_wait3A_438 : memref<1x128x144xf32, #tpu.memory_space<vmem>> -> memref<128x144xf32, #tpu.memory_space<vmem>>
        tpu.wait_dma2 semaphore(%run_scoped3A_415 : memref<!tpu.dma_semaphore, #tpu.memory_space<semaphore_mem>>) src(%dma_wait3A_439 : memref<128x144xf32, #tpu.memory_space<vmem>>) dst(%dma_wait3A_435 : memref<128x144xf32, #tpu.memory_space<vmem_shared>>)
        tpu.yield
      }) : () -> ()
      %scan3A_414 = arith.constant 0 : i32
      scf.yield %scan3A_414 : i32
    }
    %scan3A_209 = arith.constant 4 : i32
    %scan3A_210 = arith.constant 1 : i32
    %scan3A_211 = arith.constant 0 : i32
    %scan3A_212 = arith.constant 0 : i32
    %scan3A_213 = arith.constant 15 : i32
    %scan3A_214 = arith.addi %scan3A_212, %scan3A_213 : i32
    %scan3A_215 = arith.constant 1 : i32
    %scan3A_216 = scf.for %scan3A_407 = %scan3A_212 to %scan3A_214 step %scan3A_215 iter_args(%scan3A_408 = %scan3A_211) -> (i32)  : i32 {
      %mul3A_409 = arith.constant 632 : i32
      %mul3A_410 = arith.muli %arg1, %mul3A_409 : i32
      %add3A_411 = arith.constant 512 : i32
      %add3A_412 = arith.addi %mul3A_410, %add3A_411 : i32
      %mul3A_413 = arith.constant 8 : i32
      %mul3A_414 = arith.muli %scan3A_407, %mul3A_413 : i32
      %add3A_415 = arith.addi %add3A_412, %mul3A_414 : i32
      "tpu.region"() ({
        %run_scoped3A_417 = tpu.sem_alloc : memref<!tpu.dma_semaphore, #tpu.memory_space<semaphore_mem>>
        %dma_start3A_418 = arith.constant 0 : i32
        %dma_start3A_419 = arith.constant 0 : i32
        %dma_start3A_420 = tpu.memref_slice %arg8[%scan3A_210, %dma_start3A_418, %dma_start3A_419] : memref<2x128x144xf32, #tpu.memory_space<vmem>> -> memref<1x128x144xf32, #tpu.memory_space<vmem>>
        %dma_start3A_421 = tpu.memref_squeeze %dma_start3A_420 : memref<1x128x144xf32, #tpu.memory_space<vmem>> -> memref<128x144xf32, #tpu.memory_space<vmem>>
        %dma_start3A_422 = arith.constant 0 : i32
        %dma_start3A_423 = arith.constant 0 : i32
        %dma_start3A_424 = tpu.memref_slice %dma_start3A_421[%dma_start3A_422, %dma_start3A_423] : memref<128x144xf32, #tpu.memory_space<vmem>> -> memref<8x144xf32, #tpu.memory_space<vmem>>
        %dma_start3A_425 = arith.constant 0 : i32
        %dma_start3A_426 = tpu.memref_slice %arg9[%add3A_415, %dma_start3A_425] : memref<10112x144xf32, #tpu.memory_space<vmem_shared>> -> memref<8x144xf32, #tpu.memory_space<vmem_shared>>
        %dma_start3A_427 = arith.constant 0 : i32
        %dma_start3A_428 = tpu.memref_slice %arg9[%add3A_415, %dma_start3A_427] : memref<10112x144xf32, #tpu.memory_space<vmem_shared>> -> memref<8x144xf32, #tpu.memory_space<vmem_shared>>
        %dma_start3A_429 = arith.constant 0 : i32
        %dma_start3A_430 = arith.constant 0 : i32
        %dma_start3A_431 = tpu.memref_slice %arg8[%scan3A_210, %dma_start3A_429, %dma_start3A_430] : memref<2x128x144xf32, #tpu.memory_space<vmem>> -> memref<1x128x144xf32, #tpu.memory_space<vmem>>
        %dma_start3A_432 = tpu.memref_squeeze %dma_start3A_431 : memref<1x128x144xf32, #tpu.memory_space<vmem>> -> memref<128x144xf32, #tpu.memory_space<vmem>>
        %dma_start3A_433 = arith.constant 0 : i32
        %dma_start3A_434 = arith.constant 0 : i32
        %dma_start3A_435 = tpu.memref_slice %dma_start3A_432[%dma_start3A_433, %dma_start3A_434] : memref<128x144xf32, #tpu.memory_space<vmem>> -> memref<8x144xf32, #tpu.memory_space<vmem>>
        tpu.enqueue_dma source(%dma_start3A_435 : memref<8x144xf32, #tpu.memory_space<vmem>>) target(%dma_start3A_428 : memref<8x144xf32, #tpu.memory_space<vmem_shared>>) target_semaphore(%run_scoped3A_417 : memref<!tpu.dma_semaphore, #tpu.memory_space<semaphore_mem>>)
        %dma_wait3A_436 = arith.constant 0 : i32
        %dma_wait3A_437 = arith.constant 0 : i32
        %dma_wait3A_438 = tpu.memref_slice %arg8[%scan3A_210, %dma_wait3A_436, %dma_wait3A_437] : memref<2x128x144xf32, #tpu.memory_space<vmem>> -> memref<1x128x144xf32, #tpu.memory_space<vmem>>
        %dma_wait3A_439 = tpu.memref_squeeze %dma_wait3A_438 : memref<1x128x144xf32, #tpu.memory_space<vmem>> -> memref<128x144xf32, #tpu.memory_space<vmem>>
        %dma_wait3A_440 = arith.constant 0 : i32
        %dma_wait3A_441 = arith.constant 0 : i32
        %dma_wait3A_442 = tpu.memref_slice %dma_wait3A_439[%dma_wait3A_440, %dma_wait3A_441] : memref<128x144xf32, #tpu.memory_space<vmem>> -> memref<8x144xf32, #tpu.memory_space<vmem>>
        %dma_wait3A_443 = arith.constant 0 : i32
        %dma_wait3A_444 = tpu.memref_slice %arg9[%add3A_415, %dma_wait3A_443] : memref<10112x144xf32, #tpu.memory_space<vmem_shared>> -> memref<8x144xf32, #tpu.memory_space<vmem_shared>>
        %dma_wait3A_445 = arith.constant 0 : i32
        %dma_wait3A_446 = tpu.memref_slice %arg9[%add3A_415, %dma_wait3A_445] : memref<10112x144xf32, #tpu.memory_space<vmem_shared>> -> memref<8x144xf32, #tpu.memory_space<vmem_shared>>
        %dma_wait3A_447 = arith.constant 0 : i32
        %dma_wait3A_448 = arith.constant 0 : i32
        %dma_wait3A_449 = tpu.memref_slice %arg8[%scan3A_210, %dma_wait3A_447, %dma_wait3A_448] : memref<2x128x144xf32, #tpu.memory_space<vmem>> -> memref<1x128x144xf32, #tpu.memory_space<vmem>>
        %dma_wait3A_450 = tpu.memref_squeeze %dma_wait3A_449 : memref<1x128x144xf32, #tpu.memory_space<vmem>> -> memref<128x144xf32, #tpu.memory_space<vmem>>
        %dma_wait3A_451 = arith.constant 0 : i32
        %dma_wait3A_452 = arith.constant 0 : i32
        %dma_wait3A_453 = tpu.memref_slice %dma_wait3A_450[%dma_wait3A_451, %dma_wait3A_452] : memref<128x144xf32, #tpu.memory_space<vmem>> -> memref<8x144xf32, #tpu.memory_space<vmem>>
        tpu.wait_dma2 semaphore(%run_scoped3A_417 : memref<!tpu.dma_semaphore, #tpu.memory_space<semaphore_mem>>) src(%dma_wait3A_453 : memref<8x144xf32, #tpu.memory_space<vmem>>) dst(%dma_wait3A_446 : memref<8x144xf32, #tpu.memory_space<vmem_shared>>)
        tpu.yield
      }) : () -> ()
      %scan3A_416 = arith.constant 0 : i32
      scf.yield %scan3A_416 : i32
    }
    %scan3A_217 = arith.constant 15 : i32
    %barrier3A = arith.constant 0 : index
    tpu.barrier barrier_id(%barrier3A)
    %scan3A_218 = arith.constant 0 : i32
    %scan3A_219 = arith.constant 0 : i32
    %scan3A_220 = arith.constant 19 : i32
    %scan3A_221 = arith.addi %scan3A_219, %scan3A_220 : i32
    %scan3A_222 = arith.constant 1 : i32
    %scan3A_223 = scf.for %scan3A_407 = %scan3A_219 to %scan3A_221 step %scan3A_222 iter_args(%scan3A_408 = %scan3A_218) -> (i32)  : i32 {
      %mul3A_409 = arith.constant 4 : i32
      %mul3A_410 = arith.muli %mul3A_409, %scan3A_407 : i32
      %add3A_411 = arith.constant 0 : i32
      %add3A_412 = arith.addi %mul3A_410, %add3A_411 : i32
      %add3A_413 = arith.constant 1 : i32
      %add3A_414 = arith.addi %add3A_412, %add3A_413 : i32
      %min3A_415 = arith.constant 77 : i32
      %min3A_416 = arith.minsi %add3A_414, %min3A_415 : i32
      %mul3A_417 = arith.constant 10000 : i32
      %mul3A_418 = arith.muli %add3A, %mul3A_417 : i32
      %mul3A_419 = arith.constant 128 : i32
      %mul3A_420 = arith.muli %min3A_416, %mul3A_419 : i32
      %add3A_421 = arith.addi %mul3A_418, %mul3A_420 : i32
      %dma_wait3A_422 = arith.constant 0 : i32
      %dma_wait3A_423 = arith.constant 1 : i32
      %dma_wait3A_424 = arith.constant 0 : i32
      %dma_wait3A_425 = arith.constant 0 : i32
      %dma_wait3A_426 = tpu.memref_slice %arg5[%dma_wait3A_423, %dma_wait3A_424, %dma_wait3A_425] : memref<4x2x128xi32, #tpu.memory_space<vmem>> -> memref<1x1x128xi32, #tpu.memory_space<vmem>>
      %dma_wait3A_427 = tpu.memref_squeeze %dma_wait3A_426 : memref<1x1x128xi32, #tpu.memory_space<vmem>> -> memref<128xi32, #tpu.memory_space<vmem>>
      %dma_wait3A_428 = tpu.memref_slice %arg3[%dma_wait3A_422, %add3A_421] : memref<2x320000xi32, #tpu.memory_space<hbm>> -> memref<1x128xi32, #tpu.memory_space<hbm>>
      %dma_wait3A_429 = tpu.memref_squeeze %dma_wait3A_428 : memref<1x128xi32, #tpu.memory_space<hbm>> -> memref<128xi32, #tpu.memory_space<hbm>>
      %dma_wait3A_430 = arith.constant 0 : i32
      %dma_wait3A_431 = tpu.memref_slice %arg5[%dma_wait3A_423, %dma_wait3A_424, %dma_wait3A_430] : memref<4x2x128xi32, #tpu.memory_space<vmem>> -> memref<1x1x128xi32, #tpu.memory_space<vmem>>
      %dma_wait3A_432 = tpu.memref_squeeze %dma_wait3A_431 : memref<1x1x128xi32, #tpu.memory_space<vmem>> -> memref<128xi32, #tpu.memory_space<vmem>>
      %dma_wait3A_433 = tpu.memref_slice %arg3[%dma_wait3A_422, %add3A_421] : memref<2x320000xi32, #tpu.memory_space<hbm>> -> memref<1x128xi32, #tpu.memory_space<hbm>>
      %dma_wait3A_434 = tpu.memref_squeeze %dma_wait3A_433 : memref<1x128xi32, #tpu.memory_space<hbm>> -> memref<128xi32, #tpu.memory_space<hbm>>
      tpu.wait_dma2 semaphore(%arg11 : memref<!tpu.dma_semaphore, #tpu.memory_space<semaphore_mem>>) src(%dma_wait3A_434 : memref<128xi32, #tpu.memory_space<hbm>>) dst(%dma_wait3A_432 : memref<128xi32, #tpu.memory_space<vmem>>)
      %dma_wait3A_435 = arith.constant 1 : i32
      %dma_wait3A_436 = arith.constant 1 : i32
      %dma_wait3A_437 = arith.constant 1 : i32
      %dma_wait3A_438 = arith.constant 0 : i32
      %dma_wait3A_439 = tpu.memref_slice %arg5[%dma_wait3A_436, %dma_wait3A_437, %dma_wait3A_438] : memref<4x2x128xi32, #tpu.memory_space<vmem>> -> memref<1x1x128xi32, #tpu.memory_space<vmem>>
      %dma_wait3A_440 = tpu.memref_squeeze %dma_wait3A_439 : memref<1x1x128xi32, #tpu.memory_space<vmem>> -> memref<128xi32, #tpu.memory_space<vmem>>
      %dma_wait3A_441 = tpu.memref_slice %arg3[%dma_wait3A_435, %add3A_421] : memref<2x320000xi32, #tpu.memory_space<hbm>> -> memref<1x128xi32, #tpu.memory_space<hbm>>
      %dma_wait3A_442 = tpu.memref_squeeze %dma_wait3A_441 : memref<1x128xi32, #tpu.memory_space<hbm>> -> memref<128xi32, #tpu.memory_space<hbm>>
      %dma_wait3A_443 = arith.constant 0 : i32
      %dma_wait3A_444 = tpu.memref_slice %arg5[%dma_wait3A_436, %dma_wait3A_437, %dma_wait3A_443] : memref<4x2x128xi32, #tpu.memory_space<vmem>> -> memref<1x1x128xi32, #tpu.memory_space<vmem>>
      %dma_wait3A_445 = tpu.memref_squeeze %dma_wait3A_444 : memref<1x1x128xi32, #tpu.memory_space<vmem>> -> memref<128xi32, #tpu.memory_space<vmem>>
      %dma_wait3A_446 = tpu.memref_slice %arg3[%dma_wait3A_435, %add3A_421] : memref<2x320000xi32, #tpu.memory_space<hbm>> -> memref<1x128xi32, #tpu.memory_space<hbm>>
      %dma_wait3A_447 = tpu.memref_squeeze %dma_wait3A_446 : memref<1x128xi32, #tpu.memory_space<hbm>> -> memref<128xi32, #tpu.memory_space<hbm>>
      tpu.wait_dma2 semaphore(%arg11 : memref<!tpu.dma_semaphore, #tpu.memory_space<semaphore_mem>>) src(%dma_wait3A_447 : memref<128xi32, #tpu.memory_space<hbm>>) dst(%dma_wait3A_445 : memref<128xi32, #tpu.memory_space<vmem>>)
      %dma_start3A_448 = arith.constant 1 : i32
      %dma_start3A_449 = arith.constant 0 : i32
      %dma_start3A_450 = arith.constant 1 : i32
      %dma_start3A_451 = arith.constant 0 : i32
      %dma_start3A_452 = arith.constant 0 : i32
      %dma_start3A_453 = tpu.memref_slice %arg8[%dma_start3A_450, %dma_start3A_451, %dma_start3A_452] : memref<2x128x144xf32, #tpu.memory_space<vmem>> -> memref<1x128x144xf32, #tpu.memory_space<vmem>>
      %dma_start3A_454 = tpu.memref_squeeze %dma_start3A_453 : memref<1x128x144xf32, #tpu.memory_space<vmem>> -> memref<128x144xf32, #tpu.memory_space<vmem>>
      %dma_start3A_455 = arith.constant 0 : i32
      %dma_start3A_456 = tpu.memref_slice %arg5[%dma_start3A_448, %dma_start3A_449, %dma_start3A_455] : memref<4x2x128xi32, #tpu.memory_space<vmem>> -> memref<1x1x128xi32, #tpu.memory_space<vmem>>
      %dma_start3A_457 = tpu.memref_squeeze %dma_start3A_456 : memref<1x1x128xi32, #tpu.memory_space<vmem>> -> memref<128xi32, #tpu.memory_space<vmem>>
      %dma_start3A_458 = arith.constant 0 : i32
      %dma_start3A_459 = arith.constant 0 : i32
      %dma_start3A_460 = tpu.memref_slice %arg2[%dma_start3A_458, %dma_start3A_459] : memref<10000x144xf32, #tpu.memory_space<hbm>> -> memref<10000x144xf32, #tpu.memory_space<hbm>>
      tpu.enqueue_indirect_dma source(%dma_start3A_460 : memref<10000x144xf32, #tpu.memory_space<hbm>>) target(%dma_start3A_454 : memref<128x144xf32, #tpu.memory_space<vmem>>) offsets(%dma_start3A_457 : memref<128xi32, #tpu.memory_space<vmem>>) semaphore(%arg15 : memref<!tpu.dma_semaphore, #tpu.memory_space<semaphore_mem>>)
      %dma_wait3A_461 = arith.constant 0 : i32
      %dma_wait3A_462 = arith.constant 0 : i32
      %dma_wait3A_463 = arith.constant 0 : i32
      %dma_wait3A_464 = arith.constant 0 : i32
      %dma_wait3A_465 = arith.constant 0 : i32
      %dma_wait3A_466 = tpu.memref_slice %arg8[%dma_wait3A_463, %dma_wait3A_464, %dma_wait3A_465] : memref<2x128x144xf32, #tpu.memory_space<vmem>> -> memref<1x128x144xf32, #tpu.memory_space<vmem>>
      %dma_wait3A_467 = tpu.memref_squeeze %dma_wait3A_466 : memref<1x128x144xf32, #tpu.memory_space<vmem>> -> memref<128x144xf32, #tpu.memory_space<vmem>>
      %dma_wait3A_468 = arith.constant 0 : i32
      %dma_wait3A_469 = tpu.memref_slice %arg5[%dma_wait3A_461, %dma_wait3A_462, %dma_wait3A_468] : memref<4x2x128xi32, #tpu.memory_space<vmem>> -> memref<1x1x128xi32, #tpu.memory_space<vmem>>
      %dma_wait3A_470 = tpu.memref_squeeze %dma_wait3A_469 : memref<1x1x128xi32, #tpu.memory_space<vmem>> -> memref<128xi32, #tpu.memory_space<vmem>>
      %dma_wait3A_471 = arith.constant 0 : i32
      %dma_wait3A_472 = arith.constant 0 : i32
      %dma_wait3A_473 = tpu.memref_slice %arg2[%dma_wait3A_471, %dma_wait3A_472] : memref<10000x144xf32, #tpu.memory_space<hbm>> -> memref<10000x144xf32, #tpu.memory_space<hbm>>
      tpu.wait_indirect_dma semaphore(%arg14 : memref<!tpu.dma_semaphore, #tpu.memory_space<semaphore_mem>>) src(%dma_wait3A_473 : memref<10000x144xf32, #tpu.memory_space<hbm>>) dst(%dma_wait3A_467 : memref<128x144xf32, #tpu.memory_space<vmem>>)
      %run_scoped3A_474 = arith.constant 0 : i32
      %run_scoped3A_475 = arith.constant 0 : i32
      %run_scoped3A_476 = arith.constant 1 : i32
      "tpu.region"() ({
        %run_scoped3A_824 = tpu.sem_alloc : memref<!tpu.dma_semaphore, #tpu.memory_space<semaphore_mem>>
        %dma_start3A_825 = arith.constant 0 : i32
        %dma_start3A_826 = arith.constant 0 : i32
        %dma_start3A_827 = tpu.memref_slice %arg8[%run_scoped3A_474, %dma_start3A_825, %dma_start3A_826] : memref<2x128x144xf32, #tpu.memory_space<vmem>> -> memref<1x128x144xf32, #tpu.memory_space<vmem>>
        %dma_start3A_828 = tpu.memref_squeeze %dma_start3A_827 : memref<1x128x144xf32, #tpu.memory_space<vmem>> -> memref<128x144xf32, #tpu.memory_space<vmem>>
        %dma_start3A_829 = arith.constant 0 : i32
        %dma_start3A_830 = tpu.memref_slice %arg5[%run_scoped3A_475, %run_scoped3A_476, %dma_start3A_829] : memref<4x2x128xi32, #tpu.memory_space<vmem>> -> memref<1x1x128xi32, #tpu.memory_space<vmem>>
        %dma_start3A_831 = tpu.memref_squeeze %dma_start3A_830 : memref<1x1x128xi32, #tpu.memory_space<vmem>> -> memref<128xi32, #tpu.memory_space<vmem>>
        %dma_start3A_832 = arith.constant 0 : i32
        %dma_start3A_833 = arith.constant 0 : i32
        %dma_start3A_834 = tpu.memref_slice %arg9[%dma_start3A_832, %dma_start3A_833] : memref<10112x144xf32, #tpu.memory_space<vmem_shared>> -> memref<10112x144xf32, #tpu.memory_space<vmem_shared>>
        tpu.enqueue_indirect_dma source(%dma_start3A_828 : memref<128x144xf32, #tpu.memory_space<vmem>>) target(%dma_start3A_834 : memref<10112x144xf32, #tpu.memory_space<vmem_shared>>) offsets(%dma_start3A_831 : memref<128xi32, #tpu.memory_space<vmem>>) semaphore(%run_scoped3A_824 : memref<!tpu.dma_semaphore, #tpu.memory_space<semaphore_mem>>) {add = true}
        %dma_wait3A_835 = arith.constant 0 : i32
        %dma_wait3A_836 = arith.constant 0 : i32
        %dma_wait3A_837 = tpu.memref_slice %arg8[%run_scoped3A_474, %dma_wait3A_835, %dma_wait3A_836] : memref<2x128x144xf32, #tpu.memory_space<vmem>> -> memref<1x128x144xf32, #tpu.memory_space<vmem>>
        %dma_wait3A_838 = tpu.memref_squeeze %dma_wait3A_837 : memref<1x128x144xf32, #tpu.memory_space<vmem>> -> memref<128x144xf32, #tpu.memory_space<vmem>>
        %dma_wait3A_839 = arith.constant 0 : i32
        %dma_wait3A_840 = tpu.memref_slice %arg5[%run_scoped3A_475, %run_scoped3A_476, %dma_wait3A_839] : memref<4x2x128xi32, #tpu.memory_space<vmem>> -> memref<1x1x128xi32, #tpu.memory_space<vmem>>
        %dma_wait3A_841 = tpu.memref_squeeze %dma_wait3A_840 : memref<1x1x128xi32, #tpu.memory_space<vmem>> -> memref<128xi32, #tpu.memory_space<vmem>>
        %dma_wait3A_842 = arith.constant 0 : i32
        %dma_wait3A_843 = arith.constant 0 : i32
        %dma_wait3A_844 = tpu.memref_slice %arg9[%dma_wait3A_842, %dma_wait3A_843] : memref<10112x144xf32, #tpu.memory_space<vmem_shared>> -> memref<10112x144xf32, #tpu.memory_space<vmem_shared>>
        tpu.wait_indirect_dma semaphore(%run_scoped3A_824 : memref<!tpu.dma_semaphore, #tpu.memory_space<semaphore_mem>>) src(%dma_wait3A_838 : memref<128x144xf32, #tpu.memory_space<vmem>>) dst(%dma_wait3A_844 : memref<10112x144xf32, #tpu.memory_space<vmem_shared>>)
        tpu.yield
      }) : () -> ()
      %add3A_477 = arith.constant 4 : i32
      %add3A_478 = arith.addi %mul3A_410, %add3A_477 : i32
      %add3A_479 = arith.constant 0 : i32
      %add3A_480 = arith.addi %add3A_478, %add3A_479 : i32
      %min3A_481 = arith.constant 77 : i32
      %min3A_482 = arith.minsi %add3A_480, %min3A_481 : i32
      %mul3A_483 = arith.constant 10000 : i32
      %mul3A_484 = arith.muli %add3A, %mul3A_483 : i32
      %mul3A_485 = arith.constant 128 : i32
      %mul3A_486 = arith.muli %min3A_482, %mul3A_485 : i32
      %add3A_487 = arith.addi %mul3A_484, %mul3A_486 : i32
      %dma_start3A_488 = arith.constant 0 : i32
      %dma_start3A_489 = arith.constant 0 : i32
      %dma_start3A_490 = arith.constant 0 : i32
      %dma_start3A_491 = arith.constant 0 : i32
      %dma_start3A_492 = tpu.memref_slice %arg5[%dma_start3A_489, %dma_start3A_490, %dma_start3A_491] : memref<4x2x128xi32, #tpu.memory_space<vmem>> -> memref<1x1x128xi32, #tpu.memory_space<vmem>>
      %dma_start3A_493 = tpu.memref_squeeze %dma_start3A_492 : memref<1x1x128xi32, #tpu.memory_space<vmem>> -> memref<128xi32, #tpu.memory_space<vmem>>
      %dma_start3A_494 = tpu.memref_slice %arg3[%dma_start3A_488, %add3A_487] : memref<2x320000xi32, #tpu.memory_space<hbm>> -> memref<1x128xi32, #tpu.memory_space<hbm>>
      %dma_start3A_495 = tpu.memref_squeeze %dma_start3A_494 : memref<1x128xi32, #tpu.memory_space<hbm>> -> memref<128xi32, #tpu.memory_space<hbm>>
      %dma_start3A_496 = arith.constant 0 : i32
      %dma_start3A_497 = tpu.memref_slice %arg5[%dma_start3A_489, %dma_start3A_490, %dma_start3A_496] : memref<4x2x128xi32, #tpu.memory_space<vmem>> -> memref<1x1x128xi32, #tpu.memory_space<vmem>>
      %dma_start3A_498 = tpu.memref_squeeze %dma_start3A_497 : memref<1x1x128xi32, #tpu.memory_space<vmem>> -> memref<128xi32, #tpu.memory_space<vmem>>
      %dma_start3A_499 = tpu.memref_slice %arg3[%dma_start3A_488, %add3A_487] : memref<2x320000xi32, #tpu.memory_space<hbm>> -> memref<1x128xi32, #tpu.memory_space<hbm>>
      %dma_start3A_500 = tpu.memref_squeeze %dma_start3A_499 : memref<1x128xi32, #tpu.memory_space<hbm>> -> memref<128xi32, #tpu.memory_space<hbm>>
      tpu.enqueue_dma source(%dma_start3A_500 : memref<128xi32, #tpu.memory_space<hbm>>) target(%dma_start3A_498 : memref<128xi32, #tpu.memory_space<vmem>>) target_semaphore(%arg10 : memref<!tpu.dma_semaphore, #tpu.memory_space<semaphore_mem>>)
      %dma_start3A_501 = arith.constant 1 : i32
      %dma_start3A_502 = arith.constant 0 : i32
      %dma_start3A_503 = arith.constant 1 : i32
      %dma_start3A_504 = arith.constant 0 : i32
      %dma_start3A_505 = tpu.memref_slice %arg5[%dma_start3A_502, %dma_start3A_503, %dma_start3A_504] : memref<4x2x128xi32, #tpu.memory_space<vmem>> -> memref<1x1x128xi32, #tpu.memory_space<vmem>>
      %dma_start3A_506 = tpu.memref_squeeze %dma_start3A_505 : memref<1x1x128xi32, #tpu.memory_space<vmem>> -> memref<128xi32, #tpu.memory_space<vmem>>
      %dma_start3A_507 = tpu.memref_slice %arg3[%dma_start3A_501, %add3A_487] : memref<2x320000xi32, #tpu.memory_space<hbm>> -> memref<1x128xi32, #tpu.memory_space<hbm>>
      %dma_start3A_508 = tpu.memref_squeeze %dma_start3A_507 : memref<1x128xi32, #tpu.memory_space<hbm>> -> memref<128xi32, #tpu.memory_space<hbm>>
      %dma_start3A_509 = arith.constant 0 : i32
      %dma_start3A_510 = tpu.memref_slice %arg5[%dma_start3A_502, %dma_start3A_503, %dma_start3A_509] : memref<4x2x128xi32, #tpu.memory_space<vmem>> -> memref<1x1x128xi32, #tpu.memory_space<vmem>>
      %dma_start3A_511 = tpu.memref_squeeze %dma_start3A_510 : memref<1x1x128xi32, #tpu.memory_space<vmem>> -> memref<128xi32, #tpu.memory_space<vmem>>
      %dma_start3A_512 = tpu.memref_slice %arg3[%dma_start3A_501, %add3A_487] : memref<2x320000xi32, #tpu.memory_space<hbm>> -> memref<1x128xi32, #tpu.memory_space<hbm>>
      %dma_start3A_513 = tpu.memref_squeeze %dma_start3A_512 : memref<1x128xi32, #tpu.memory_space<hbm>> -> memref<128xi32, #tpu.memory_space<hbm>>
      tpu.enqueue_dma source(%dma_start3A_513 : memref<128xi32, #tpu.memory_space<hbm>>) target(%dma_start3A_511 : memref<128xi32, #tpu.memory_space<vmem>>) target_semaphore(%arg10 : memref<!tpu.dma_semaphore, #tpu.memory_space<semaphore_mem>>)
      %add3A_514 = arith.constant 1 : i32
      %add3A_515 = arith.addi %mul3A_410, %add3A_514 : i32
      %add3A_516 = arith.constant 1 : i32
      %add3A_517 = arith.addi %add3A_515, %add3A_516 : i32
      %min3A_518 = arith.constant 77 : i32
      %min3A_519 = arith.minsi %add3A_517, %min3A_518 : i32
      %mul3A_520 = arith.constant 10000 : i32
      %mul3A_521 = arith.muli %add3A, %mul3A_520 : i32
      %mul3A_522 = arith.constant 128 : i32
      %mul3A_523 = arith.muli %min3A_519, %mul3A_522 : i32
      %add3A_524 = arith.addi %mul3A_521, %mul3A_523 : i32
      %dma_wait3A_525 = arith.constant 0 : i32
      %dma_wait3A_526 = arith.constant 2 : i32
      %dma_wait3A_527 = arith.constant 0 : i32
      %dma_wait3A_528 = arith.constant 0 : i32
      %dma_wait3A_529 = tpu.memref_slice %arg5[%dma_wait3A_526, %dma_wait3A_527, %dma_wait3A_528] : memref<4x2x128xi32, #tpu.memory_space<vmem>> -> memref<1x1x128xi32, #tpu.memory_space<vmem>>
      %dma_wait3A_530 = tpu.memref_squeeze %dma_wait3A_529 : memref<1x1x128xi32, #tpu.memory_space<vmem>> -> memref<128xi32, #tpu.memory_space<vmem>>
      %dma_wait3A_531 = tpu.memref_slice %arg3[%dma_wait3A_525, %add3A_524] : memref<2x320000xi32, #tpu.memory_space<hbm>> -> memref<1x128xi32, #tpu.memory_space<hbm>>
      %dma_wait3A_532 = tpu.memref_squeeze %dma_wait3A_531 : memref<1x128xi32, #tpu.memory_space<hbm>> -> memref<128xi32, #tpu.memory_space<hbm>>
      %dma_wait3A_533 = arith.constant 0 : i32
      %dma_wait3A_534 = tpu.memref_slice %arg5[%dma_wait3A_526, %dma_wait3A_527, %dma_wait3A_533] : memref<4x2x128xi32, #tpu.memory_space<vmem>> -> memref<1x1x128xi32, #tpu.memory_space<vmem>>
      %dma_wait3A_535 = tpu.memref_squeeze %dma_wait3A_534 : memref<1x1x128xi32, #tpu.memory_space<vmem>> -> memref<128xi32, #tpu.memory_space<vmem>>
      %dma_wait3A_536 = tpu.memref_slice %arg3[%dma_wait3A_525, %add3A_524] : memref<2x320000xi32, #tpu.memory_space<hbm>> -> memref<1x128xi32, #tpu.memory_space<hbm>>
      %dma_wait3A_537 = tpu.memref_squeeze %dma_wait3A_536 : memref<1x128xi32, #tpu.memory_space<hbm>> -> memref<128xi32, #tpu.memory_space<hbm>>
      tpu.wait_dma2 semaphore(%arg12 : memref<!tpu.dma_semaphore, #tpu.memory_space<semaphore_mem>>) src(%dma_wait3A_537 : memref<128xi32, #tpu.memory_space<hbm>>) dst(%dma_wait3A_535 : memref<128xi32, #tpu.memory_space<vmem>>)
      %dma_wait3A_538 = arith.constant 1 : i32
      %dma_wait3A_539 = arith.constant 2 : i32
      %dma_wait3A_540 = arith.constant 1 : i32
      %dma_wait3A_541 = arith.constant 0 : i32
      %dma_wait3A_542 = tpu.memref_slice %arg5[%dma_wait3A_539, %dma_wait3A_540, %dma_wait3A_541] : memref<4x2x128xi32, #tpu.memory_space<vmem>> -> memref<1x1x128xi32, #tpu.memory_space<vmem>>
      %dma_wait3A_543 = tpu.memref_squeeze %dma_wait3A_542 : memref<1x1x128xi32, #tpu.memory_space<vmem>> -> memref<128xi32, #tpu.memory_space<vmem>>
      %dma_wait3A_544 = tpu.memref_slice %arg3[%dma_wait3A_538, %add3A_524] : memref<2x320000xi32, #tpu.memory_space<hbm>> -> memref<1x128xi32, #tpu.memory_space<hbm>>
      %dma_wait3A_545 = tpu.memref_squeeze %dma_wait3A_544 : memref<1x128xi32, #tpu.memory_space<hbm>> -> memref<128xi32, #tpu.memory_space<hbm>>
      %dma_wait3A_546 = arith.constant 0 : i32
      %dma_wait3A_547 = tpu.memref_slice %arg5[%dma_wait3A_539, %dma_wait3A_540, %dma_wait3A_546] : memref<4x2x128xi32, #tpu.memory_space<vmem>> -> memref<1x1x128xi32, #tpu.memory_space<vmem>>
      %dma_wait3A_548 = tpu.memref_squeeze %dma_wait3A_547 : memref<1x1x128xi32, #tpu.memory_space<vmem>> -> memref<128xi32, #tpu.memory_space<vmem>>
      %dma_wait3A_549 = tpu.memref_slice %arg3[%dma_wait3A_538, %add3A_524] : memref<2x320000xi32, #tpu.memory_space<hbm>> -> memref<1x128xi32, #tpu.memory_space<hbm>>
      %dma_wait3A_550 = tpu.memref_squeeze %dma_wait3A_549 : memref<1x128xi32, #tpu.memory_space<hbm>> -> memref<128xi32, #tpu.memory_space<hbm>>
      tpu.wait_dma2 semaphore(%arg12 : memref<!tpu.dma_semaphore, #tpu.memory_space<semaphore_mem>>) src(%dma_wait3A_550 : memref<128xi32, #tpu.memory_space<hbm>>) dst(%dma_wait3A_548 : memref<128xi32, #tpu.memory_space<vmem>>)
      %dma_start3A_551 = arith.constant 2 : i32
      %dma_start3A_552 = arith.constant 0 : i32
      %dma_start3A_553 = arith.constant 0 : i32
      %dma_start3A_554 = arith.constant 0 : i32
      %dma_start3A_555 = arith.constant 0 : i32
      %dma_start3A_556 = tpu.memref_slice %arg8[%dma_start3A_553, %dma_start3A_554, %dma_start3A_555] : memref<2x128x144xf32, #tpu.memory_space<vmem>> -> memref<1x128x144xf32, #tpu.memory_space<vmem>>
      %dma_start3A_557 = tpu.memref_squeeze %dma_start3A_556 : memref<1x128x144xf32, #tpu.memory_space<vmem>> -> memref<128x144xf32, #tpu.memory_space<vmem>>
      %dma_start3A_558 = arith.constant 0 : i32
      %dma_start3A_559 = tpu.memref_slice %arg5[%dma_start3A_551, %dma_start3A_552, %dma_start3A_558] : memref<4x2x128xi32, #tpu.memory_space<vmem>> -> memref<1x1x128xi32, #tpu.memory_space<vmem>>
      %dma_start3A_560 = tpu.memref_squeeze %dma_start3A_559 : memref<1x1x128xi32, #tpu.memory_space<vmem>> -> memref<128xi32, #tpu.memory_space<vmem>>
      %dma_start3A_561 = arith.constant 0 : i32
      %dma_start3A_562 = arith.constant 0 : i32
      %dma_start3A_563 = tpu.memref_slice %arg2[%dma_start3A_561, %dma_start3A_562] : memref<10000x144xf32, #tpu.memory_space<hbm>> -> memref<10000x144xf32, #tpu.memory_space<hbm>>
      tpu.enqueue_indirect_dma source(%dma_start3A_563 : memref<10000x144xf32, #tpu.memory_space<hbm>>) target(%dma_start3A_557 : memref<128x144xf32, #tpu.memory_space<vmem>>) offsets(%dma_start3A_560 : memref<128xi32, #tpu.memory_space<vmem>>) semaphore(%arg14 : memref<!tpu.dma_semaphore, #tpu.memory_space<semaphore_mem>>)
      %dma_wait3A_564 = arith.constant 1 : i32
      %dma_wait3A_565 = arith.constant 0 : i32
      %dma_wait3A_566 = arith.constant 1 : i32
      %dma_wait3A_567 = arith.constant 0 : i32
      %dma_wait3A_568 = arith.constant 0 : i32
      %dma_wait3A_569 = tpu.memref_slice %arg8[%dma_wait3A_566, %dma_wait3A_567, %dma_wait3A_568] : memref<2x128x144xf32, #tpu.memory_space<vmem>> -> memref<1x128x144xf32, #tpu.memory_space<vmem>>
      %dma_wait3A_570 = tpu.memref_squeeze %dma_wait3A_569 : memref<1x128x144xf32, #tpu.memory_space<vmem>> -> memref<128x144xf32, #tpu.memory_space<vmem>>
      %dma_wait3A_571 = arith.constant 0 : i32
      %dma_wait3A_572 = tpu.memref_slice %arg5[%dma_wait3A_564, %dma_wait3A_565, %dma_wait3A_571] : memref<4x2x128xi32, #tpu.memory_space<vmem>> -> memref<1x1x128xi32, #tpu.memory_space<vmem>>
      %dma_wait3A_573 = tpu.memref_squeeze %dma_wait3A_572 : memref<1x1x128xi32, #tpu.memory_space<vmem>> -> memref<128xi32, #tpu.memory_space<vmem>>
      %dma_wait3A_574 = arith.constant 0 : i32
      %dma_wait3A_575 = arith.constant 0 : i32
      %dma_wait3A_576 = tpu.memref_slice %arg2[%dma_wait3A_574, %dma_wait3A_575] : memref<10000x144xf32, #tpu.memory_space<hbm>> -> memref<10000x144xf32, #tpu.memory_space<hbm>>
      tpu.wait_indirect_dma semaphore(%arg15 : memref<!tpu.dma_semaphore, #tpu.memory_space<semaphore_mem>>) src(%dma_wait3A_576 : memref<10000x144xf32, #tpu.memory_space<hbm>>) dst(%dma_wait3A_570 : memref<128x144xf32, #tpu.memory_space<vmem>>)
      %run_scoped3A_577 = arith.constant 1 : i32
      %run_scoped3A_578 = arith.constant 1 : i32
      %run_scoped3A_579 = arith.constant 1 : i32
      "tpu.region"() ({
        %run_scoped3A_824 = tpu.sem_alloc : memref<!tpu.dma_semaphore, #tpu.memory_space<semaphore_mem>>
        %dma_start3A_825 = arith.constant 0 : i32
        %dma_start3A_826 = arith.constant 0 : i32
        %dma_start3A_827 = tpu.memref_slice %arg8[%run_scoped3A_577, %dma_start3A_825, %dma_start3A_826] : memref<2x128x144xf32, #tpu.memory_space<vmem>> -> memref<1x128x144xf32, #tpu.memory_space<vmem>>
        %dma_start3A_828 = tpu.memref_squeeze %dma_start3A_827 : memref<1x128x144xf32, #tpu.memory_space<vmem>> -> memref<128x144xf32, #tpu.memory_space<vmem>>
        %dma_start3A_829 = arith.constant 0 : i32
        %dma_start3A_830 = tpu.memref_slice %arg5[%run_scoped3A_578, %run_scoped3A_579, %dma_start3A_829] : memref<4x2x128xi32, #tpu.memory_space<vmem>> -> memref<1x1x128xi32, #tpu.memory_space<vmem>>
        %dma_start3A_831 = tpu.memref_squeeze %dma_start3A_830 : memref<1x1x128xi32, #tpu.memory_space<vmem>> -> memref<128xi32, #tpu.memory_space<vmem>>
        %dma_start3A_832 = arith.constant 0 : i32
        %dma_start3A_833 = arith.constant 0 : i32
        %dma_start3A_834 = tpu.memref_slice %arg9[%dma_start3A_832, %dma_start3A_833] : memref<10112x144xf32, #tpu.memory_space<vmem_shared>> -> memref<10112x144xf32, #tpu.memory_space<vmem_shared>>
        tpu.enqueue_indirect_dma source(%dma_start3A_828 : memref<128x144xf32, #tpu.memory_space<vmem>>) target(%dma_start3A_834 : memref<10112x144xf32, #tpu.memory_space<vmem_shared>>) offsets(%dma_start3A_831 : memref<128xi32, #tpu.memory_space<vmem>>) semaphore(%run_scoped3A_824 : memref<!tpu.dma_semaphore, #tpu.memory_space<semaphore_mem>>) {add = true}
        %dma_wait3A_835 = arith.constant 0 : i32
        %dma_wait3A_836 = arith.constant 0 : i32
        %dma_wait3A_837 = tpu.memref_slice %arg8[%run_scoped3A_577, %dma_wait3A_835, %dma_wait3A_836] : memref<2x128x144xf32, #tpu.memory_space<vmem>> -> memref<1x128x144xf32, #tpu.memory_space<vmem>>
        %dma_wait3A_838 = tpu.memref_squeeze %dma_wait3A_837 : memref<1x128x144xf32, #tpu.memory_space<vmem>> -> memref<128x144xf32, #tpu.memory_space<vmem>>
        %dma_wait3A_839 = arith.constant 0 : i32
        %dma_wait3A_840 = tpu.memref_slice %arg5[%run_scoped3A_578, %run_scoped3A_579, %dma_wait3A_839] : memref<4x2x128xi32, #tpu.memory_space<vmem>> -> memref<1x1x128xi32, #tpu.memory_space<vmem>>
        %dma_wait3A_841 = tpu.memref_squeeze %dma_wait3A_840 : memref<1x1x128xi32, #tpu.memory_space<vmem>> -> memref<128xi32, #tpu.memory_space<vmem>>
        %dma_wait3A_842 = arith.constant 0 : i32
        %dma_wait3A_843 = arith.constant 0 : i32
        %dma_wait3A_844 = tpu.memref_slice %arg9[%dma_wait3A_842, %dma_wait3A_843] : memref<10112x144xf32, #tpu.memory_space<vmem_shared>> -> memref<10112x144xf32, #tpu.memory_space<vmem_shared>>
        tpu.wait_indirect_dma semaphore(%run_scoped3A_824 : memref<!tpu.dma_semaphore, #tpu.memory_space<semaphore_mem>>) src(%dma_wait3A_838 : memref<128x144xf32, #tpu.memory_space<vmem>>) dst(%dma_wait3A_844 : memref<10112x144xf32, #tpu.memory_space<vmem_shared>>)
        tpu.yield
      }) : () -> ()
      %add3A_580 = arith.constant 4 : i32
      %add3A_581 = arith.addi %mul3A_410, %add3A_580 : i32
      %add3A_582 = arith.constant 1 : i32
      %add3A_583 = arith.addi %add3A_581, %add3A_582 : i32
      %min3A_584 = arith.constant 77 : i32
      %min3A_585 = arith.minsi %add3A_583, %min3A_584 : i32
      %mul3A_586 = arith.constant 10000 : i32
      %mul3A_587 = arith.muli %add3A, %mul3A_586 : i32
      %mul3A_588 = arith.constant 128 : i32
      %mul3A_589 = arith.muli %min3A_585, %mul3A_588 : i32
      %add3A_590 = arith.addi %mul3A_587, %mul3A_589 : i32
      %dma_start3A_591 = arith.constant 0 : i32
      %dma_start3A_592 = arith.constant 1 : i32
      %dma_start3A_593 = arith.constant 0 : i32
      %dma_start3A_594 = arith.constant 0 : i32
      %dma_start3A_595 = tpu.memref_slice %arg5[%dma_start3A_592, %dma_start3A_593, %dma_start3A_594] : memref<4x2x128xi32, #tpu.memory_space<vmem>> -> memref<1x1x128xi32, #tpu.memory_space<vmem>>
      %dma_start3A_596 = tpu.memref_squeeze %dma_start3A_595 : memref<1x1x128xi32, #tpu.memory_space<vmem>> -> memref<128xi32, #tpu.memory_space<vmem>>
      %dma_start3A_597 = tpu.memref_slice %arg3[%dma_start3A_591, %add3A_590] : memref<2x320000xi32, #tpu.memory_space<hbm>> -> memref<1x128xi32, #tpu.memory_space<hbm>>
      %dma_start3A_598 = tpu.memref_squeeze %dma_start3A_597 : memref<1x128xi32, #tpu.memory_space<hbm>> -> memref<128xi32, #tpu.memory_space<hbm>>
      %dma_start3A_599 = arith.constant 0 : i32
      %dma_start3A_600 = tpu.memref_slice %arg5[%dma_start3A_592, %dma_start3A_593, %dma_start3A_599] : memref<4x2x128xi32, #tpu.memory_space<vmem>> -> memref<1x1x128xi32, #tpu.memory_space<vmem>>
      %dma_start3A_601 = tpu.memref_squeeze %dma_start3A_600 : memref<1x1x128xi32, #tpu.memory_space<vmem>> -> memref<128xi32, #tpu.memory_space<vmem>>
      %dma_start3A_602 = tpu.memref_slice %arg3[%dma_start3A_591, %add3A_590] : memref<2x320000xi32, #tpu.memory_space<hbm>> -> memref<1x128xi32, #tpu.memory_space<hbm>>
      %dma_start3A_603 = tpu.memref_squeeze %dma_start3A_602 : memref<1x128xi32, #tpu.memory_space<hbm>> -> memref<128xi32, #tpu.memory_space<hbm>>
      tpu.enqueue_dma source(%dma_start3A_603 : memref<128xi32, #tpu.memory_space<hbm>>) target(%dma_start3A_601 : memref<128xi32, #tpu.memory_space<vmem>>) target_semaphore(%arg11 : memref<!tpu.dma_semaphore, #tpu.memory_space<semaphore_mem>>)
      %dma_start3A_604 = arith.constant 1 : i32
      %dma_start3A_605 = arith.constant 1 : i32
      %dma_start3A_606 = arith.constant 1 : i32
      %dma_start3A_607 = arith.constant 0 : i32
      %dma_start3A_608 = tpu.memref_slice %arg5[%dma_start3A_605, %dma_start3A_606, %dma_start3A_607] : memref<4x2x128xi32, #tpu.memory_space<vmem>> -> memref<1x1x128xi32, #tpu.memory_space<vmem>>
      %dma_start3A_609 = tpu.memref_squeeze %dma_start3A_608 : memref<1x1x128xi32, #tpu.memory_space<vmem>> -> memref<128xi32, #tpu.memory_space<vmem>>
      %dma_start3A_610 = tpu.memref_slice %arg3[%dma_start3A_604, %add3A_590] : memref<2x320000xi32, #tpu.memory_space<hbm>> -> memref<1x128xi32, #tpu.memory_space<hbm>>
      %dma_start3A_611 = tpu.memref_squeeze %dma_start3A_610 : memref<1x128xi32, #tpu.memory_space<hbm>> -> memref<128xi32, #tpu.memory_space<hbm>>
      %dma_start3A_612 = arith.constant 0 : i32
      %dma_start3A_613 = tpu.memref_slice %arg5[%dma_start3A_605, %dma_start3A_606, %dma_start3A_612] : memref<4x2x128xi32, #tpu.memory_space<vmem>> -> memref<1x1x128xi32, #tpu.memory_space<vmem>>
      %dma_start3A_614 = tpu.memref_squeeze %dma_start3A_613 : memref<1x1x128xi32, #tpu.memory_space<vmem>> -> memref<128xi32, #tpu.memory_space<vmem>>
      %dma_start3A_615 = tpu.memref_slice %arg3[%dma_start3A_604, %add3A_590] : memref<2x320000xi32, #tpu.memory_space<hbm>> -> memref<1x128xi32, #tpu.memory_space<hbm>>
      %dma_start3A_616 = tpu.memref_squeeze %dma_start3A_615 : memref<1x128xi32, #tpu.memory_space<hbm>> -> memref<128xi32, #tpu.memory_space<hbm>>
      tpu.enqueue_dma source(%dma_start3A_616 : memref<128xi32, #tpu.memory_space<hbm>>) target(%dma_start3A_614 : memref<128xi32, #tpu.memory_space<vmem>>) target_semaphore(%arg11 : memref<!tpu.dma_semaphore, #tpu.memory_space<semaphore_mem>>)
      %add3A_617 = arith.constant 2 : i32
      %add3A_618 = arith.addi %mul3A_410, %add3A_617 : i32
      %add3A_619 = arith.constant 1 : i32
      %add3A_620 = arith.addi %add3A_618, %add3A_619 : i32
      %min3A_621 = arith.constant 77 : i32
      %min3A_622 = arith.minsi %add3A_620, %min3A_621 : i32
      %mul3A_623 = arith.constant 10000 : i32
      %mul3A_624 = arith.muli %add3A, %mul3A_623 : i32
      %mul3A_625 = arith.constant 128 : i32
      %mul3A_626 = arith.muli %min3A_622, %mul3A_625 : i32
      %add3A_627 = arith.addi %mul3A_624, %mul3A_626 : i32
      %dma_wait3A_628 = arith.constant 0 : i32
      %dma_wait3A_629 = arith.constant 3 : i32
      %dma_wait3A_630 = arith.constant 0 : i32
      %dma_wait3A_631 = arith.constant 0 : i32
      %dma_wait3A_632 = tpu.memref_slice %arg5[%dma_wait3A_629, %dma_wait3A_630, %dma_wait3A_631] : memref<4x2x128xi32, #tpu.memory_space<vmem>> -> memref<1x1x128xi32, #tpu.memory_space<vmem>>
      %dma_wait3A_633 = tpu.memref_squeeze %dma_wait3A_632 : memref<1x1x128xi32, #tpu.memory_space<vmem>> -> memref<128xi32, #tpu.memory_space<vmem>>
      %dma_wait3A_634 = tpu.memref_slice %arg3[%dma_wait3A_628, %add3A_627] : memref<2x320000xi32, #tpu.memory_space<hbm>> -> memref<1x128xi32, #tpu.memory_space<hbm>>
      %dma_wait3A_635 = tpu.memref_squeeze %dma_wait3A_634 : memref<1x128xi32, #tpu.memory_space<hbm>> -> memref<128xi32, #tpu.memory_space<hbm>>
      %dma_wait3A_636 = arith.constant 0 : i32
      %dma_wait3A_637 = tpu.memref_slice %arg5[%dma_wait3A_629, %dma_wait3A_630, %dma_wait3A_636] : memref<4x2x128xi32, #tpu.memory_space<vmem>> -> memref<1x1x128xi32, #tpu.memory_space<vmem>>
      %dma_wait3A_638 = tpu.memref_squeeze %dma_wait3A_637 : memref<1x1x128xi32, #tpu.memory_space<vmem>> -> memref<128xi32, #tpu.memory_space<vmem>>
      %dma_wait3A_639 = tpu.memref_slice %arg3[%dma_wait3A_628, %add3A_627] : memref<2x320000xi32, #tpu.memory_space<hbm>> -> memref<1x128xi32, #tpu.memory_space<hbm>>
      %dma_wait3A_640 = tpu.memref_squeeze %dma_wait3A_639 : memref<1x128xi32, #tpu.memory_space<hbm>> -> memref<128xi32, #tpu.memory_space<hbm>>
      tpu.wait_dma2 semaphore(%arg13 : memref<!tpu.dma_semaphore, #tpu.memory_space<semaphore_mem>>) src(%dma_wait3A_640 : memref<128xi32, #tpu.memory_space<hbm>>) dst(%dma_wait3A_638 : memref<128xi32, #tpu.memory_space<vmem>>)
      %dma_wait3A_641 = arith.constant 1 : i32
      %dma_wait3A_642 = arith.constant 3 : i32
      %dma_wait3A_643 = arith.constant 1 : i32
      %dma_wait3A_644 = arith.constant 0 : i32
      %dma_wait3A_645 = tpu.memref_slice %arg5[%dma_wait3A_642, %dma_wait3A_643, %dma_wait3A_644] : memref<4x2x128xi32, #tpu.memory_space<vmem>> -> memref<1x1x128xi32, #tpu.memory_space<vmem>>
      %dma_wait3A_646 = tpu.memref_squeeze %dma_wait3A_645 : memref<1x1x128xi32, #tpu.memory_space<vmem>> -> memref<128xi32, #tpu.memory_space<vmem>>
      %dma_wait3A_647 = tpu.memref_slice %arg3[%dma_wait3A_641, %add3A_627] : memref<2x320000xi32, #tpu.memory_space<hbm>> -> memref<1x128xi32, #tpu.memory_space<hbm>>
      %dma_wait3A_648 = tpu.memref_squeeze %dma_wait3A_647 : memref<1x128xi32, #tpu.memory_space<hbm>> -> memref<128xi32, #tpu.memory_space<hbm>>
      %dma_wait3A_649 = arith.constant 0 : i32
      %dma_wait3A_650 = tpu.memref_slice %arg5[%dma_wait3A_642, %dma_wait3A_643, %dma_wait3A_649] : memref<4x2x128xi32, #tpu.memory_space<vmem>> -> memref<1x1x128xi32, #tpu.memory_space<vmem>>
      %dma_wait3A_651 = tpu.memref_squeeze %dma_wait3A_650 : memref<1x1x128xi32, #tpu.memory_space<vmem>> -> memref<128xi32, #tpu.memory_space<vmem>>
      %dma_wait3A_652 = tpu.memref_slice %arg3[%dma_wait3A_641, %add3A_627] : memref<2x320000xi32, #tpu.memory_space<hbm>> -> memref<1x128xi32, #tpu.memory_space<hbm>>
      %dma_wait3A_653 = tpu.memref_squeeze %dma_wait3A_652 : memref<1x128xi32, #tpu.memory_space<hbm>> -> memref<128xi32, #tpu.memory_space<hbm>>
      tpu.wait_dma2 semaphore(%arg13 : memref<!tpu.dma_semaphore, #tpu.memory_space<semaphore_mem>>) src(%dma_wait3A_653 : memref<128xi32, #tpu.memory_space<hbm>>) dst(%dma_wait3A_651 : memref<128xi32, #tpu.memory_space<vmem>>)
      %dma_start3A_654 = arith.constant 3 : i32
      %dma_start3A_655 = arith.constant 0 : i32
      %dma_start3A_656 = arith.constant 1 : i32
      %dma_start3A_657 = arith.constant 0 : i32
      %dma_start3A_658 = arith.constant 0 : i32
      %dma_start3A_659 = tpu.memref_slice %arg8[%dma_start3A_656, %dma_start3A_657, %dma_start3A_658] : memref<2x128x144xf32, #tpu.memory_space<vmem>> -> memref<1x128x144xf32, #tpu.memory_space<vmem>>
      %dma_start3A_660 = tpu.memref_squeeze %dma_start3A_659 : memref<1x128x144xf32, #tpu.memory_space<vmem>> -> memref<128x144xf32, #tpu.memory_space<vmem>>
      %dma_start3A_661 = arith.constant 0 : i32
      %dma_start3A_662 = tpu.memref_slice %arg5[%dma_start3A_654, %dma_start3A_655, %dma_start3A_661] : memref<4x2x128xi32, #tpu.memory_space<vmem>> -> memref<1x1x128xi32, #tpu.memory_space<vmem>>
      %dma_start3A_663 = tpu.memref_squeeze %dma_start3A_662 : memref<1x1x128xi32, #tpu.memory_space<vmem>> -> memref<128xi32, #tpu.memory_space<vmem>>
      %dma_start3A_664 = arith.constant 0 : i32
      %dma_start3A_665 = arith.constant 0 : i32
      %dma_start3A_666 = tpu.memref_slice %arg2[%dma_start3A_664, %dma_start3A_665] : memref<10000x144xf32, #tpu.memory_space<hbm>> -> memref<10000x144xf32, #tpu.memory_space<hbm>>
      tpu.enqueue_indirect_dma source(%dma_start3A_666 : memref<10000x144xf32, #tpu.memory_space<hbm>>) target(%dma_start3A_660 : memref<128x144xf32, #tpu.memory_space<vmem>>) offsets(%dma_start3A_663 : memref<128xi32, #tpu.memory_space<vmem>>) semaphore(%arg15 : memref<!tpu.dma_semaphore, #tpu.memory_space<semaphore_mem>>)
      %dma_wait3A_667 = arith.constant 2 : i32
      %dma_wait3A_668 = arith.constant 0 : i32
      %dma_wait3A_669 = arith.constant 0 : i32
      %dma_wait3A_670 = arith.constant 0 : i32
      %dma_wait3A_671 = arith.constant 0 : i32
      %dma_wait3A_672 = tpu.memref_slice %arg8[%dma_wait3A_669, %dma_wait3A_670, %dma_wait3A_671] : memref<2x128x144xf32, #tpu.memory_space<vmem>> -> memref<1x128x144xf32, #tpu.memory_space<vmem>>
      %dma_wait3A_673 = tpu.memref_squeeze %dma_wait3A_672 : memref<1x128x144xf32, #tpu.memory_space<vmem>> -> memref<128x144xf32, #tpu.memory_space<vmem>>
      %dma_wait3A_674 = arith.constant 0 : i32
      %dma_wait3A_675 = tpu.memref_slice %arg5[%dma_wait3A_667, %dma_wait3A_668, %dma_wait3A_674] : memref<4x2x128xi32, #tpu.memory_space<vmem>> -> memref<1x1x128xi32, #tpu.memory_space<vmem>>
      %dma_wait3A_676 = tpu.memref_squeeze %dma_wait3A_675 : memref<1x1x128xi32, #tpu.memory_space<vmem>> -> memref<128xi32, #tpu.memory_space<vmem>>
      %dma_wait3A_677 = arith.constant 0 : i32
      %dma_wait3A_678 = arith.constant 0 : i32
      %dma_wait3A_679 = tpu.memref_slice %arg2[%dma_wait3A_677, %dma_wait3A_678] : memref<10000x144xf32, #tpu.memory_space<hbm>> -> memref<10000x144xf32, #tpu.memory_space<hbm>>
      tpu.wait_indirect_dma semaphore(%arg14 : memref<!tpu.dma_semaphore, #tpu.memory_space<semaphore_mem>>) src(%dma_wait3A_679 : memref<10000x144xf32, #tpu.memory_space<hbm>>) dst(%dma_wait3A_673 : memref<128x144xf32, #tpu.memory_space<vmem>>)
      %run_scoped3A_680 = arith.constant 0 : i32
      %run_scoped3A_681 = arith.constant 2 : i32
      %run_scoped3A_682 = arith.constant 1 : i32
      "tpu.region"() ({
        %run_scoped3A_824 = tpu.sem_alloc : memref<!tpu.dma_semaphore, #tpu.memory_space<semaphore_mem>>
        %dma_start3A_825 = arith.constant 0 : i32
        %dma_start3A_826 = arith.constant 0 : i32
        %dma_start3A_827 = tpu.memref_slice %arg8[%run_scoped3A_680, %dma_start3A_825, %dma_start3A_826] : memref<2x128x144xf32, #tpu.memory_space<vmem>> -> memref<1x128x144xf32, #tpu.memory_space<vmem>>
        %dma_start3A_828 = tpu.memref_squeeze %dma_start3A_827 : memref<1x128x144xf32, #tpu.memory_space<vmem>> -> memref<128x144xf32, #tpu.memory_space<vmem>>
        %dma_start3A_829 = arith.constant 0 : i32
        %dma_start3A_830 = tpu.memref_slice %arg5[%run_scoped3A_681, %run_scoped3A_682, %dma_start3A_829] : memref<4x2x128xi32, #tpu.memory_space<vmem>> -> memref<1x1x128xi32, #tpu.memory_space<vmem>>
        %dma_start3A_831 = tpu.memref_squeeze %dma_start3A_830 : memref<1x1x128xi32, #tpu.memory_space<vmem>> -> memref<128xi32, #tpu.memory_space<vmem>>
        %dma_start3A_832 = arith.constant 0 : i32
        %dma_start3A_833 = arith.constant 0 : i32
        %dma_start3A_834 = tpu.memref_slice %arg9[%dma_start3A_832, %dma_start3A_833] : memref<10112x144xf32, #tpu.memory_space<vmem_shared>> -> memref<10112x144xf32, #tpu.memory_space<vmem_shared>>
        tpu.enqueue_indirect_dma source(%dma_start3A_828 : memref<128x144xf32, #tpu.memory_space<vmem>>) target(%dma_start3A_834 : memref<10112x144xf32, #tpu.memory_space<vmem_shared>>) offsets(%dma_start3A_831 : memref<128xi32, #tpu.memory_space<vmem>>) semaphore(%run_scoped3A_824 : memref<!tpu.dma_semaphore, #tpu.memory_space<semaphore_mem>>) {add = true}
        %dma_wait3A_835 = arith.constant 0 : i32
        %dma_wait3A_836 = arith.constant 0 : i32
        %dma_wait3A_837 = tpu.memref_slice %arg8[%run_scoped3A_680, %dma_wait3A_835, %dma_wait3A_836] : memref<2x128x144xf32, #tpu.memory_space<vmem>> -> memref<1x128x144xf32, #tpu.memory_space<vmem>>
        %dma_wait3A_838 = tpu.memref_squeeze %dma_wait3A_837 : memref<1x128x144xf32, #tpu.memory_space<vmem>> -> memref<128x144xf32, #tpu.memory_space<vmem>>
        %dma_wait3A_839 = arith.constant 0 : i32
        %dma_wait3A_840 = tpu.memref_slice %arg5[%run_scoped3A_681, %run_scoped3A_682, %dma_wait3A_839] : memref<4x2x128xi32, #tpu.memory_space<vmem>> -> memref<1x1x128xi32, #tpu.memory_space<vmem>>
        %dma_wait3A_841 = tpu.memref_squeeze %dma_wait3A_840 : memref<1x1x128xi32, #tpu.memory_space<vmem>> -> memref<128xi32, #tpu.memory_space<vmem>>
        %dma_wait3A_842 = arith.constant 0 : i32
        %dma_wait3A_843 = arith.constant 0 : i32
        %dma_wait3A_844 = tpu.memref_slice %arg9[%dma_wait3A_842, %dma_wait3A_843] : memref<10112x144xf32, #tpu.memory_space<vmem_shared>> -> memref<10112x144xf32, #tpu.memory_space<vmem_shared>>
        tpu.wait_indirect_dma semaphore(%run_scoped3A_824 : memref<!tpu.dma_semaphore, #tpu.memory_space<semaphore_mem>>) src(%dma_wait3A_838 : memref<128x144xf32, #tpu.memory_space<vmem>>) dst(%dma_wait3A_844 : memref<10112x144xf32, #tpu.memory_space<vmem_shared>>)
        tpu.yield
      }) : () -> ()
      %add3A_683 = arith.constant 4 : i32
      %add3A_684 = arith.addi %mul3A_410, %add3A_683 : i32
      %add3A_685 = arith.constant 2 : i32
      %add3A_686 = arith.addi %add3A_684, %add3A_685 : i32
      %min3A_687 = arith.constant 77 : i32
      %min3A_688 = arith.minsi %add3A_686, %min3A_687 : i32
      %mul3A_689 = arith.constant 10000 : i32
      %mul3A_690 = arith.muli %add3A, %mul3A_689 : i32
      %mul3A_691 = arith.constant 128 : i32
      %mul3A_692 = arith.muli %min3A_688, %mul3A_691 : i32
      %add3A_693 = arith.addi %mul3A_690, %mul3A_692 : i32
      %dma_start3A_694 = arith.constant 0 : i32
      %dma_start3A_695 = arith.constant 2 : i32
      %dma_start3A_696 = arith.constant 0 : i32
      %dma_start3A_697 = arith.constant 0 : i32
      %dma_start3A_698 = tpu.memref_slice %arg5[%dma_start3A_695, %dma_start3A_696, %dma_start3A_697] : memref<4x2x128xi32, #tpu.memory_space<vmem>> -> memref<1x1x128xi32, #tpu.memory_space<vmem>>
      %dma_start3A_699 = tpu.memref_squeeze %dma_start3A_698 : memref<1x1x128xi32, #tpu.memory_space<vmem>> -> memref<128xi32, #tpu.memory_space<vmem>>
      %dma_start3A_700 = tpu.memref_slice %arg3[%dma_start3A_694, %add3A_693] : memref<2x320000xi32, #tpu.memory_space<hbm>> -> memref<1x128xi32, #tpu.memory_space<hbm>>
      %dma_start3A_701 = tpu.memref_squeeze %dma_start3A_700 : memref<1x128xi32, #tpu.memory_space<hbm>> -> memref<128xi32, #tpu.memory_space<hbm>>
      %dma_start3A_702 = arith.constant 0 : i32
      %dma_start3A_703 = tpu.memref_slice %arg5[%dma_start3A_695, %dma_start3A_696, %dma_start3A_702] : memref<4x2x128xi32, #tpu.memory_space<vmem>> -> memref<1x1x128xi32, #tpu.memory_space<vmem>>
      %dma_start3A_704 = tpu.memref_squeeze %dma_start3A_703 : memref<1x1x128xi32, #tpu.memory_space<vmem>> -> memref<128xi32, #tpu.memory_space<vmem>>
      %dma_start3A_705 = tpu.memref_slice %arg3[%dma_start3A_694, %add3A_693] : memref<2x320000xi32, #tpu.memory_space<hbm>> -> memref<1x128xi32, #tpu.memory_space<hbm>>
      %dma_start3A_706 = tpu.memref_squeeze %dma_start3A_705 : memref<1x128xi32, #tpu.memory_space<hbm>> -> memref<128xi32, #tpu.memory_space<hbm>>
      tpu.enqueue_dma source(%dma_start3A_706 : memref<128xi32, #tpu.memory_space<hbm>>) target(%dma_start3A_704 : memref<128xi32, #tpu.memory_space<vmem>>) target_semaphore(%arg12 : memref<!tpu.dma_semaphore, #tpu.memory_space<semaphore_mem>>)
      %dma_start3A_707 = arith.constant 1 : i32
      %dma_start3A_708 = arith.constant 2 : i32
      %dma_start3A_709 = arith.constant 1 : i32
      %dma_start3A_710 = arith.constant 0 : i32
      %dma_start3A_711 = tpu.memref_slice %arg5[%dma_start3A_708, %dma_start3A_709, %dma_start3A_710] : memref<4x2x128xi32, #tpu.memory_space<vmem>> -> memref<1x1x128xi32, #tpu.memory_space<vmem>>
      %dma_start3A_712 = tpu.memref_squeeze %dma_start3A_711 : memref<1x1x128xi32, #tpu.memory_space<vmem>> -> memref<128xi32, #tpu.memory_space<vmem>>
      %dma_start3A_713 = tpu.memref_slice %arg3[%dma_start3A_707, %add3A_693] : memref<2x320000xi32, #tpu.memory_space<hbm>> -> memref<1x128xi32, #tpu.memory_space<hbm>>
      %dma_start3A_714 = tpu.memref_squeeze %dma_start3A_713 : memref<1x128xi32, #tpu.memory_space<hbm>> -> memref<128xi32, #tpu.memory_space<hbm>>
      %dma_start3A_715 = arith.constant 0 : i32
      %dma_start3A_716 = tpu.memref_slice %arg5[%dma_start3A_708, %dma_start3A_709, %dma_start3A_715] : memref<4x2x128xi32, #tpu.memory_space<vmem>> -> memref<1x1x128xi32, #tpu.memory_space<vmem>>
      %dma_start3A_717 = tpu.memref_squeeze %dma_start3A_716 : memref<1x1x128xi32, #tpu.memory_space<vmem>> -> memref<128xi32, #tpu.memory_space<vmem>>
      %dma_start3A_718 = tpu.memref_slice %arg3[%dma_start3A_707, %add3A_693] : memref<2x320000xi32, #tpu.memory_space<hbm>> -> memref<1x128xi32, #tpu.memory_space<hbm>>
      %dma_start3A_719 = tpu.memref_squeeze %dma_start3A_718 : memref<1x128xi32, #tpu.memory_space<hbm>> -> memref<128xi32, #tpu.memory_space<hbm>>
      tpu.enqueue_dma source(%dma_start3A_719 : memref<128xi32, #tpu.memory_space<hbm>>) target(%dma_start3A_717 : memref<128xi32, #tpu.memory_space<vmem>>) target_semaphore(%arg12 : memref<!tpu.dma_semaphore, #tpu.memory_space<semaphore_mem>>)
      %add3A_720 = arith.constant 3 : i32
      %add3A_721 = arith.addi %mul3A_410, %add3A_720 : i32
      %add3A_722 = arith.constant 1 : i32
      %add3A_723 = arith.addi %add3A_721, %add3A_722 : i32
      %min3A_724 = arith.constant 77 : i32
      %min3A_725 = arith.minsi %add3A_723, %min3A_724 : i32
      %mul3A_726 = arith.constant 10000 : i32
      %mul3A_727 = arith.muli %add3A, %mul3A_726 : i32
      %mul3A_728 = arith.constant 128 : i32
      %mul3A_729 = arith.muli %min3A_725, %mul3A_728 : i32
      %add3A_730 = arith.addi %mul3A_727, %mul3A_729 : i32
      %dma_wait3A_731 = arith.constant 0 : i32
      %dma_wait3A_732 = arith.constant 0 : i32
      %dma_wait3A_733 = arith.constant 0 : i32
      %dma_wait3A_734 = arith.constant 0 : i32
      %dma_wait3A_735 = tpu.memref_slice %arg5[%dma_wait3A_732, %dma_wait3A_733, %dma_wait3A_734] : memref<4x2x128xi32, #tpu.memory_space<vmem>> -> memref<1x1x128xi32, #tpu.memory_space<vmem>>
      %dma_wait3A_736 = tpu.memref_squeeze %dma_wait3A_735 : memref<1x1x128xi32, #tpu.memory_space<vmem>> -> memref<128xi32, #tpu.memory_space<vmem>>
      %dma_wait3A_737 = tpu.memref_slice %arg3[%dma_wait3A_731, %add3A_730] : memref<2x320000xi32, #tpu.memory_space<hbm>> -> memref<1x128xi32, #tpu.memory_space<hbm>>
      %dma_wait3A_738 = tpu.memref_squeeze %dma_wait3A_737 : memref<1x128xi32, #tpu.memory_space<hbm>> -> memref<128xi32, #tpu.memory_space<hbm>>
      %dma_wait3A_739 = arith.constant 0 : i32
      %dma_wait3A_740 = tpu.memref_slice %arg5[%dma_wait3A_732, %dma_wait3A_733, %dma_wait3A_739] : memref<4x2x128xi32, #tpu.memory_space<vmem>> -> memref<1x1x128xi32, #tpu.memory_space<vmem>>
      %dma_wait3A_741 = tpu.memref_squeeze %dma_wait3A_740 : memref<1x1x128xi32, #tpu.memory_space<vmem>> -> memref<128xi32, #tpu.memory_space<vmem>>
      %dma_wait3A_742 = tpu.memref_slice %arg3[%dma_wait3A_731, %add3A_730] : memref<2x320000xi32, #tpu.memory_space<hbm>> -> memref<1x128xi32, #tpu.memory_space<hbm>>
      %dma_wait3A_743 = tpu.memref_squeeze %dma_wait3A_742 : memref<1x128xi32, #tpu.memory_space<hbm>> -> memref<128xi32, #tpu.memory_space<hbm>>
      tpu.wait_dma2 semaphore(%arg10 : memref<!tpu.dma_semaphore, #tpu.memory_space<semaphore_mem>>) src(%dma_wait3A_743 : memref<128xi32, #tpu.memory_space<hbm>>) dst(%dma_wait3A_741 : memref<128xi32, #tpu.memory_space<vmem>>)
      %dma_wait3A_744 = arith.constant 1 : i32
      %dma_wait3A_745 = arith.constant 0 : i32
      %dma_wait3A_746 = arith.constant 1 : i32
      %dma_wait3A_747 = arith.constant 0 : i32
      %dma_wait3A_748 = tpu.memref_slice %arg5[%dma_wait3A_745, %dma_wait3A_746, %dma_wait3A_747] : memref<4x2x128xi32, #tpu.memory_space<vmem>> -> memref<1x1x128xi32, #tpu.memory_space<vmem>>
      %dma_wait3A_749 = tpu.memref_squeeze %dma_wait3A_748 : memref<1x1x128xi32, #tpu.memory_space<vmem>> -> memref<128xi32, #tpu.memory_space<vmem>>
      %dma_wait3A_750 = tpu.memref_slice %arg3[%dma_wait3A_744, %add3A_730] : memref<2x320000xi32, #tpu.memory_space<hbm>> -> memref<1x128xi32, #tpu.memory_space<hbm>>
      %dma_wait3A_751 = tpu.memref_squeeze %dma_wait3A_750 : memref<1x128xi32, #tpu.memory_space<hbm>> -> memref<128xi32, #tpu.memory_space<hbm>>
      %dma_wait3A_752 = arith.constant 0 : i32
      %dma_wait3A_753 = tpu.memref_slice %arg5[%dma_wait3A_745, %dma_wait3A_746, %dma_wait3A_752] : memref<4x2x128xi32, #tpu.memory_space<vmem>> -> memref<1x1x128xi32, #tpu.memory_space<vmem>>
      %dma_wait3A_754 = tpu.memref_squeeze %dma_wait3A_753 : memref<1x1x128xi32, #tpu.memory_space<vmem>> -> memref<128xi32, #tpu.memory_space<vmem>>
      %dma_wait3A_755 = tpu.memref_slice %arg3[%dma_wait3A_744, %add3A_730] : memref<2x320000xi32, #tpu.memory_space<hbm>> -> memref<1x128xi32, #tpu.memory_space<hbm>>
      %dma_wait3A_756 = tpu.memref_squeeze %dma_wait3A_755 : memref<1x128xi32, #tpu.memory_space<hbm>> -> memref<128xi32, #tpu.memory_space<hbm>>
      tpu.wait_dma2 semaphore(%arg10 : memref<!tpu.dma_semaphore, #tpu.memory_space<semaphore_mem>>) src(%dma_wait3A_756 : memref<128xi32, #tpu.memory_space<hbm>>) dst(%dma_wait3A_754 : memref<128xi32, #tpu.memory_space<vmem>>)
      %dma_start3A_757 = arith.constant 0 : i32
      %dma_start3A_758 = arith.constant 0 : i32
      %dma_start3A_759 = arith.constant 0 : i32
      %dma_start3A_760 = arith.constant 0 : i32
      %dma_start3A_761 = arith.constant 0 : i32
      %dma_start3A_762 = tpu.memref_slice %arg8[%dma_start3A_759, %dma_start3A_760, %dma_start3A_761] : memref<2x128x144xf32, #tpu.memory_space<vmem>> -> memref<1x128x144xf32, #tpu.memory_space<vmem>>
      %dma_start3A_763 = tpu.memref_squeeze %dma_start3A_762 : memref<1x128x144xf32, #tpu.memory_space<vmem>> -> memref<128x144xf32, #tpu.memory_space<vmem>>
      %dma_start3A_764 = arith.constant 0 : i32
      %dma_start3A_765 = tpu.memref_slice %arg5[%dma_start3A_757, %dma_start3A_758, %dma_start3A_764] : memref<4x2x128xi32, #tpu.memory_space<vmem>> -> memref<1x1x128xi32, #tpu.memory_space<vmem>>
      %dma_start3A_766 = tpu.memref_squeeze %dma_start3A_765 : memref<1x1x128xi32, #tpu.memory_space<vmem>> -> memref<128xi32, #tpu.memory_space<vmem>>
      %dma_start3A_767 = arith.constant 0 : i32
      %dma_start3A_768 = arith.constant 0 : i32
      %dma_start3A_769 = tpu.memref_slice %arg2[%dma_start3A_767, %dma_start3A_768] : memref<10000x144xf32, #tpu.memory_space<hbm>> -> memref<10000x144xf32, #tpu.memory_space<hbm>>
      tpu.enqueue_indirect_dma source(%dma_start3A_769 : memref<10000x144xf32, #tpu.memory_space<hbm>>) target(%dma_start3A_763 : memref<128x144xf32, #tpu.memory_space<vmem>>) offsets(%dma_start3A_766 : memref<128xi32, #tpu.memory_space<vmem>>) semaphore(%arg14 : memref<!tpu.dma_semaphore, #tpu.memory_space<semaphore_mem>>)
      %dma_wait3A_770 = arith.constant 3 : i32
      %dma_wait3A_771 = arith.constant 0 : i32
      %dma_wait3A_772 = arith.constant 1 : i32
      %dma_wait3A_773 = arith.constant 0 : i32
      %dma_wait3A_774 = arith.constant 0 : i32
      %dma_wait3A_775 = tpu.memref_slice %arg8[%dma_wait3A_772, %dma_wait3A_773, %dma_wait3A_774] : memref<2x128x144xf32, #tpu.memory_space<vmem>> -> memref<1x128x144xf32, #tpu.memory_space<vmem>>
      %dma_wait3A_776 = tpu.memref_squeeze %dma_wait3A_775 : memref<1x128x144xf32, #tpu.memory_space<vmem>> -> memref<128x144xf32, #tpu.memory_space<vmem>>
      %dma_wait3A_777 = arith.constant 0 : i32
      %dma_wait3A_778 = tpu.memref_slice %arg5[%dma_wait3A_770, %dma_wait3A_771, %dma_wait3A_777] : memref<4x2x128xi32, #tpu.memory_space<vmem>> -> memref<1x1x128xi32, #tpu.memory_space<vmem>>
      %dma_wait3A_779 = tpu.memref_squeeze %dma_wait3A_778 : memref<1x1x128xi32, #tpu.memory_space<vmem>> -> memref<128xi32, #tpu.memory_space<vmem>>
      %dma_wait3A_780 = arith.constant 0 : i32
      %dma_wait3A_781 = arith.constant 0 : i32
      %dma_wait3A_782 = tpu.memref_slice %arg2[%dma_wait3A_780, %dma_wait3A_781] : memref<10000x144xf32, #tpu.memory_space<hbm>> -> memref<10000x144xf32, #tpu.memory_space<hbm>>
      tpu.wait_indirect_dma semaphore(%arg15 : memref<!tpu.dma_semaphore, #tpu.memory_space<semaphore_mem>>) src(%dma_wait3A_782 : memref<10000x144xf32, #tpu.memory_space<hbm>>) dst(%dma_wait3A_776 : memref<128x144xf32, #tpu.memory_space<vmem>>)
      %run_scoped3A_783 = arith.constant 1 : i32
      %run_scoped3A_784 = arith.constant 3 : i32
      %run_scoped3A_785 = arith.constant 1 : i32
      "tpu.region"() ({
        %run_scoped3A_824 = tpu.sem_alloc : memref<!tpu.dma_semaphore, #tpu.memory_space<semaphore_mem>>
        %dma_start3A_825 = arith.constant 0 : i32
        %dma_start3A_826 = arith.constant 0 : i32
        %dma_start3A_827 = tpu.memref_slice %arg8[%run_scoped3A_783, %dma_start3A_825, %dma_start3A_826] : memref<2x128x144xf32, #tpu.memory_space<vmem>> -> memref<1x128x144xf32, #tpu.memory_space<vmem>>
        %dma_start3A_828 = tpu.memref_squeeze %dma_start3A_827 : memref<1x128x144xf32, #tpu.memory_space<vmem>> -> memref<128x144xf32, #tpu.memory_space<vmem>>
        %dma_start3A_829 = arith.constant 0 : i32
        %dma_start3A_830 = tpu.memref_slice %arg5[%run_scoped3A_784, %run_scoped3A_785, %dma_start3A_829] : memref<4x2x128xi32, #tpu.memory_space<vmem>> -> memref<1x1x128xi32, #tpu.memory_space<vmem>>
        %dma_start3A_831 = tpu.memref_squeeze %dma_start3A_830 : memref<1x1x128xi32, #tpu.memory_space<vmem>> -> memref<128xi32, #tpu.memory_space<vmem>>
        %dma_start3A_832 = arith.constant 0 : i32
        %dma_start3A_833 = arith.constant 0 : i32
        %dma_start3A_834 = tpu.memref_slice %arg9[%dma_start3A_832, %dma_start3A_833] : memref<10112x144xf32, #tpu.memory_space<vmem_shared>> -> memref<10112x144xf32, #tpu.memory_space<vmem_shared>>
        tpu.enqueue_indirect_dma source(%dma_start3A_828 : memref<128x144xf32, #tpu.memory_space<vmem>>) target(%dma_start3A_834 : memref<10112x144xf32, #tpu.memory_space<vmem_shared>>) offsets(%dma_start3A_831 : memref<128xi32, #tpu.memory_space<vmem>>) semaphore(%run_scoped3A_824 : memref<!tpu.dma_semaphore, #tpu.memory_space<semaphore_mem>>) {add = true}
        %dma_wait3A_835 = arith.constant 0 : i32
        %dma_wait3A_836 = arith.constant 0 : i32
        %dma_wait3A_837 = tpu.memref_slice %arg8[%run_scoped3A_783, %dma_wait3A_835, %dma_wait3A_836] : memref<2x128x144xf32, #tpu.memory_space<vmem>> -> memref<1x128x144xf32, #tpu.memory_space<vmem>>
        %dma_wait3A_838 = tpu.memref_squeeze %dma_wait3A_837 : memref<1x128x144xf32, #tpu.memory_space<vmem>> -> memref<128x144xf32, #tpu.memory_space<vmem>>
        %dma_wait3A_839 = arith.constant 0 : i32
        %dma_wait3A_840 = tpu.memref_slice %arg5[%run_scoped3A_784, %run_scoped3A_785, %dma_wait3A_839] : memref<4x2x128xi32, #tpu.memory_space<vmem>> -> memref<1x1x128xi32, #tpu.memory_space<vmem>>
        %dma_wait3A_841 = tpu.memref_squeeze %dma_wait3A_840 : memref<1x1x128xi32, #tpu.memory_space<vmem>> -> memref<128xi32, #tpu.memory_space<vmem>>
        %dma_wait3A_842 = arith.constant 0 : i32
        %dma_wait3A_843 = arith.constant 0 : i32
        %dma_wait3A_844 = tpu.memref_slice %arg9[%dma_wait3A_842, %dma_wait3A_843] : memref<10112x144xf32, #tpu.memory_space<vmem_shared>> -> memref<10112x144xf32, #tpu.memory_space<vmem_shared>>
        tpu.wait_indirect_dma semaphore(%run_scoped3A_824 : memref<!tpu.dma_semaphore, #tpu.memory_space<semaphore_mem>>) src(%dma_wait3A_838 : memref<128x144xf32, #tpu.memory_space<vmem>>) dst(%dma_wait3A_844 : memref<10112x144xf32, #tpu.memory_space<vmem_shared>>)
        tpu.yield
      }) : () -> ()
      %add3A_786 = arith.constant 4 : i32
      %add3A_787 = arith.addi %mul3A_410, %add3A_786 : i32
      %add3A_788 = arith.constant 3 : i32
      %add3A_789 = arith.addi %add3A_787, %add3A_788 : i32
      %min3A_790 = arith.constant 77 : i32
      %min3A_791 = arith.minsi %add3A_789, %min3A_790 : i32
      %mul3A_792 = arith.constant 10000 : i32
      %mul3A_793 = arith.muli %add3A, %mul3A_792 : i32
      %mul3A_794 = arith.constant 128 : i32
      %mul3A_795 = arith.muli %min3A_791, %mul3A_794 : i32
      %add3A_796 = arith.addi %mul3A_793, %mul3A_795 : i32
      %dma_start3A_797 = arith.constant 0 : i32
      %dma_start3A_798 = arith.constant 3 : i32
      %dma_start3A_799 = arith.constant 0 : i32
      %dma_start3A_800 = arith.constant 0 : i32
      %dma_start3A_801 = tpu.memref_slice %arg5[%dma_start3A_798, %dma_start3A_799, %dma_start3A_800] : memref<4x2x128xi32, #tpu.memory_space<vmem>> -> memref<1x1x128xi32, #tpu.memory_space<vmem>>
      %dma_start3A_802 = tpu.memref_squeeze %dma_start3A_801 : memref<1x1x128xi32, #tpu.memory_space<vmem>> -> memref<128xi32, #tpu.memory_space<vmem>>
      %dma_start3A_803 = tpu.memref_slice %arg3[%dma_start3A_797, %add3A_796] : memref<2x320000xi32, #tpu.memory_space<hbm>> -> memref<1x128xi32, #tpu.memory_space<hbm>>
      %dma_start3A_804 = tpu.memref_squeeze %dma_start3A_803 : memref<1x128xi32, #tpu.memory_space<hbm>> -> memref<128xi32, #tpu.memory_space<hbm>>
      %dma_start3A_805 = arith.constant 0 : i32
      %dma_start3A_806 = tpu.memref_slice %arg5[%dma_start3A_798, %dma_start3A_799, %dma_start3A_805] : memref<4x2x128xi32, #tpu.memory_space<vmem>> -> memref<1x1x128xi32, #tpu.memory_space<vmem>>
      %dma_start3A_807 = tpu.memref_squeeze %dma_start3A_806 : memref<1x1x128xi32, #tpu.memory_space<vmem>> -> memref<128xi32, #tpu.memory_space<vmem>>
      %dma_start3A_808 = tpu.memref_slice %arg3[%dma_start3A_797, %add3A_796] : memref<2x320000xi32, #tpu.memory_space<hbm>> -> memref<1x128xi32, #tpu.memory_space<hbm>>
      %dma_start3A_809 = tpu.memref_squeeze %dma_start3A_808 : memref<1x128xi32, #tpu.memory_space<hbm>> -> memref<128xi32, #tpu.memory_space<hbm>>
      tpu.enqueue_dma source(%dma_start3A_809 : memref<128xi32, #tpu.memory_space<hbm>>) target(%dma_start3A_807 : memref<128xi32, #tpu.memory_space<vmem>>) target_semaphore(%arg13 : memref<!tpu.dma_semaphore, #tpu.memory_space<semaphore_mem>>)
      %dma_start3A_810 = arith.constant 1 : i32
      %dma_start3A_811 = arith.constant 3 : i32
      %dma_start3A_812 = arith.constant 1 : i32
      %dma_start3A_813 = arith.constant 0 : i32
      %dma_start3A_814 = tpu.memref_slice %arg5[%dma_start3A_811, %dma_start3A_812, %dma_start3A_813] : memref<4x2x128xi32, #tpu.memory_space<vmem>> -> memref<1x1x128xi32, #tpu.memory_space<vmem>>
      %dma_start3A_815 = tpu.memref_squeeze %dma_start3A_814 : memref<1x1x128xi32, #tpu.memory_space<vmem>> -> memref<128xi32, #tpu.memory_space<vmem>>
      %dma_start3A_816 = tpu.memref_slice %arg3[%dma_start3A_810, %add3A_796] : memref<2x320000xi32, #tpu.memory_space<hbm>> -> memref<1x128xi32, #tpu.memory_space<hbm>>
      %dma_start3A_817 = tpu.memref_squeeze %dma_start3A_816 : memref<1x128xi32, #tpu.memory_space<hbm>> -> memref<128xi32, #tpu.memory_space<hbm>>
      %dma_start3A_818 = arith.constant 0 : i32
      %dma_start3A_819 = tpu.memref_slice %arg5[%dma_start3A_811, %dma_start3A_812, %dma_start3A_818] : memref<4x2x128xi32, #tpu.memory_space<vmem>> -> memref<1x1x128xi32, #tpu.memory_space<vmem>>
      %dma_start3A_820 = tpu.memref_squeeze %dma_start3A_819 : memref<1x1x128xi32, #tpu.memory_space<vmem>> -> memref<128xi32, #tpu.memory_space<vmem>>
      %dma_start3A_821 = tpu.memref_slice %arg3[%dma_start3A_810, %add3A_796] : memref<2x320000xi32, #tpu.memory_space<hbm>> -> memref<1x128xi32, #tpu.memory_space<hbm>>
      %dma_start3A_822 = tpu.memref_squeeze %dma_start3A_821 : memref<1x128xi32, #tpu.memory_space<hbm>> -> memref<128xi32, #tpu.memory_space<hbm>>
      tpu.enqueue_dma source(%dma_start3A_822 : memref<128xi32, #tpu.memory_space<hbm>>) target(%dma_start3A_820 : memref<128xi32, #tpu.memory_space<vmem>>) target_semaphore(%arg13 : memref<!tpu.dma_semaphore, #tpu.memory_space<semaphore_mem>>)
      %scan3A_823 = arith.constant 0 : i32
      scf.yield %scan3A_823 : i32
    }
    %scan3A_224 = arith.constant 19 : i32
    %min3A_225 = arith.constant 77 : i32
    %min3A_226 = arith.constant 77 : i32
    %min3A_227 = arith.minsi %min3A_225, %min3A_226 : i32
    %mul3A_228 = arith.constant 10000 : i32
    %mul3A_229 = arith.muli %add3A, %mul3A_228 : i32
    %mul3A_230 = arith.constant 128 : i32
    %mul3A_231 = arith.muli %min3A_227, %mul3A_230 : i32
    %add3A_232 = arith.addi %mul3A_229, %mul3A_231 : i32
    %dma_wait3A_233 = arith.constant 0 : i32
    %dma_wait3A_234 = arith.constant 1 : i32
    %dma_wait3A_235 = arith.constant 0 : i32
    %dma_wait3A_236 = arith.constant 0 : i32
    %dma_wait3A_237 = tpu.memref_slice %arg5[%dma_wait3A_234, %dma_wait3A_235, %dma_wait3A_236] : memref<4x2x128xi32, #tpu.memory_space<vmem>> -> memref<1x1x128xi32, #tpu.memory_space<vmem>>
    %dma_wait3A_238 = tpu.memref_squeeze %dma_wait3A_237 : memref<1x1x128xi32, #tpu.memory_space<vmem>> -> memref<128xi32, #tpu.memory_space<vmem>>
    %dma_wait3A_239 = tpu.memref_slice %arg3[%dma_wait3A_233, %add3A_232] : memref<2x320000xi32, #tpu.memory_space<hbm>> -> memref<1x128xi32, #tpu.memory_space<hbm>>
    %dma_wait3A_240 = tpu.memref_squeeze %dma_wait3A_239 : memref<1x128xi32, #tpu.memory_space<hbm>> -> memref<128xi32, #tpu.memory_space<hbm>>
    %dma_wait3A_241 = arith.constant 0 : i32
    %dma_wait3A_242 = tpu.memref_slice %arg5[%dma_wait3A_234, %dma_wait3A_235, %dma_wait3A_241] : memref<4x2x128xi32, #tpu.memory_space<vmem>> -> memref<1x1x128xi32, #tpu.memory_space<vmem>>
    %dma_wait3A_243 = tpu.memref_squeeze %dma_wait3A_242 : memref<1x1x128xi32, #tpu.memory_space<vmem>> -> memref<128xi32, #tpu.memory_space<vmem>>
    %dma_wait3A_244 = tpu.memref_slice %arg3[%dma_wait3A_233, %add3A_232] : memref<2x320000xi32, #tpu.memory_space<hbm>> -> memref<1x128xi32, #tpu.memory_space<hbm>>
    %dma_wait3A_245 = tpu.memref_squeeze %dma_wait3A_244 : memref<1x128xi32, #tpu.memory_space<hbm>> -> memref<128xi32, #tpu.memory_space<hbm>>
    tpu.wait_dma2 semaphore(%arg11 : memref<!tpu.dma_semaphore, #tpu.memory_space<semaphore_mem>>) src(%dma_wait3A_245 : memref<128xi32, #tpu.memory_space<hbm>>) dst(%dma_wait3A_243 : memref<128xi32, #tpu.memory_space<vmem>>)
    %dma_wait3A_246 = arith.constant 1 : i32
    %dma_wait3A_247 = arith.constant 1 : i32
    %dma_wait3A_248 = arith.constant 1 : i32
    %dma_wait3A_249 = arith.constant 0 : i32
    %dma_wait3A_250 = tpu.memref_slice %arg5[%dma_wait3A_247, %dma_wait3A_248, %dma_wait3A_249] : memref<4x2x128xi32, #tpu.memory_space<vmem>> -> memref<1x1x128xi32, #tpu.memory_space<vmem>>
    %dma_wait3A_251 = tpu.memref_squeeze %dma_wait3A_250 : memref<1x1x128xi32, #tpu.memory_space<vmem>> -> memref<128xi32, #tpu.memory_space<vmem>>
    %dma_wait3A_252 = tpu.memref_slice %arg3[%dma_wait3A_246, %add3A_232] : memref<2x320000xi32, #tpu.memory_space<hbm>> -> memref<1x128xi32, #tpu.memory_space<hbm>>
    %dma_wait3A_253 = tpu.memref_squeeze %dma_wait3A_252 : memref<1x128xi32, #tpu.memory_space<hbm>> -> memref<128xi32, #tpu.memory_space<hbm>>
    %dma_wait3A_254 = arith.constant 0 : i32
    %dma_wait3A_255 = tpu.memref_slice %arg5[%dma_wait3A_247, %dma_wait3A_248, %dma_wait3A_254] : memref<4x2x128xi32, #tpu.memory_space<vmem>> -> memref<1x1x128xi32, #tpu.memory_space<vmem>>
    %dma_wait3A_256 = tpu.memref_squeeze %dma_wait3A_255 : memref<1x1x128xi32, #tpu.memory_space<vmem>> -> memref<128xi32, #tpu.memory_space<vmem>>
    %dma_wait3A_257 = tpu.memref_slice %arg3[%dma_wait3A_246, %add3A_232] : memref<2x320000xi32, #tpu.memory_space<hbm>> -> memref<1x128xi32, #tpu.memory_space<hbm>>
    %dma_wait3A_258 = tpu.memref_squeeze %dma_wait3A_257 : memref<1x128xi32, #tpu.memory_space<hbm>> -> memref<128xi32, #tpu.memory_space<hbm>>
    tpu.wait_dma2 semaphore(%arg11 : memref<!tpu.dma_semaphore, #tpu.memory_space<semaphore_mem>>) src(%dma_wait3A_258 : memref<128xi32, #tpu.memory_space<hbm>>) dst(%dma_wait3A_256 : memref<128xi32, #tpu.memory_space<vmem>>)
    %dma_start3A_259 = arith.constant 1 : i32
    %dma_start3A_260 = arith.constant 0 : i32
    %dma_start3A_261 = arith.constant 1 : i32
    %dma_start3A_262 = arith.constant 0 : i32
    %dma_start3A_263 = arith.constant 0 : i32
    %dma_start3A_264 = tpu.memref_slice %arg8[%dma_start3A_261, %dma_start3A_262, %dma_start3A_263] : memref<2x128x144xf32, #tpu.memory_space<vmem>> -> memref<1x128x144xf32, #tpu.memory_space<vmem>>
    %dma_start3A_265 = tpu.memref_squeeze %dma_start3A_264 : memref<1x128x144xf32, #tpu.memory_space<vmem>> -> memref<128x144xf32, #tpu.memory_space<vmem>>
    %dma_start3A_266 = arith.constant 0 : i32
    %dma_start3A_267 = tpu.memref_slice %arg5[%dma_start3A_259, %dma_start3A_260, %dma_start3A_266] : memref<4x2x128xi32, #tpu.memory_space<vmem>> -> memref<1x1x128xi32, #tpu.memory_space<vmem>>
    %dma_start3A_268 = tpu.memref_squeeze %dma_start3A_267 : memref<1x1x128xi32, #tpu.memory_space<vmem>> -> memref<128xi32, #tpu.memory_space<vmem>>
    %dma_start3A_269 = arith.constant 0 : i32
    %dma_start3A_270 = arith.constant 0 : i32
    %dma_start3A_271 = tpu.memref_slice %arg2[%dma_start3A_269, %dma_start3A_270] : memref<10000x144xf32, #tpu.memory_space<hbm>> -> memref<10000x144xf32, #tpu.memory_space<hbm>>
    tpu.enqueue_indirect_dma source(%dma_start3A_271 : memref<10000x144xf32, #tpu.memory_space<hbm>>) target(%dma_start3A_265 : memref<128x144xf32, #tpu.memory_space<vmem>>) offsets(%dma_start3A_268 : memref<128xi32, #tpu.memory_space<vmem>>) semaphore(%arg15 : memref<!tpu.dma_semaphore, #tpu.memory_space<semaphore_mem>>)
    %dma_wait3A_272 = arith.constant 0 : i32
    %dma_wait3A_273 = arith.constant 0 : i32
    %dma_wait3A_274 = arith.constant 0 : i32
    %dma_wait3A_275 = arith.constant 0 : i32
    %dma_wait3A_276 = arith.constant 0 : i32
    %dma_wait3A_277 = tpu.memref_slice %arg8[%dma_wait3A_274, %dma_wait3A_275, %dma_wait3A_276] : memref<2x128x144xf32, #tpu.memory_space<vmem>> -> memref<1x128x144xf32, #tpu.memory_space<vmem>>
    %dma_wait3A_278 = tpu.memref_squeeze %dma_wait3A_277 : memref<1x128x144xf32, #tpu.memory_space<vmem>> -> memref<128x144xf32, #tpu.memory_space<vmem>>
    %dma_wait3A_279 = arith.constant 0 : i32
    %dma_wait3A_280 = tpu.memref_slice %arg5[%dma_wait3A_272, %dma_wait3A_273, %dma_wait3A_279] : memref<4x2x128xi32, #tpu.memory_space<vmem>> -> memref<1x1x128xi32, #tpu.memory_space<vmem>>
    %dma_wait3A_281 = tpu.memref_squeeze %dma_wait3A_280 : memref<1x1x128xi32, #tpu.memory_space<vmem>> -> memref<128xi32, #tpu.memory_space<vmem>>
    %dma_wait3A_282 = arith.constant 0 : i32
    %dma_wait3A_283 = arith.constant 0 : i32
    %dma_wait3A_284 = tpu.memref_slice %arg2[%dma_wait3A_282, %dma_wait3A_283] : memref<10000x144xf32, #tpu.memory_space<hbm>> -> memref<10000x144xf32, #tpu.memory_space<hbm>>
    tpu.wait_indirect_dma semaphore(%arg14 : memref<!tpu.dma_semaphore, #tpu.memory_space<semaphore_mem>>) src(%dma_wait3A_284 : memref<10000x144xf32, #tpu.memory_space<hbm>>) dst(%dma_wait3A_278 : memref<128x144xf32, #tpu.memory_space<vmem>>)
    %run_scoped3A = arith.constant 0 : i32
    %run_scoped3A_285 = arith.constant 0 : i32
    %run_scoped3A_286 = arith.constant 1 : i32
    "tpu.region"() ({
      %run_scoped3A_407 = tpu.sem_alloc : memref<!tpu.dma_semaphore, #tpu.memory_space<semaphore_mem>>
      %dma_start3A_408 = arith.constant 0 : i32
      %dma_start3A_409 = arith.constant 0 : i32
      %dma_start3A_410 = tpu.memref_slice %arg8[%run_scoped3A, %dma_start3A_408, %dma_start3A_409] : memref<2x128x144xf32, #tpu.memory_space<vmem>> -> memref<1x128x144xf32, #tpu.memory_space<vmem>>
      %dma_start3A_411 = tpu.memref_squeeze %dma_start3A_410 : memref<1x128x144xf32, #tpu.memory_space<vmem>> -> memref<128x144xf32, #tpu.memory_space<vmem>>
      %dma_start3A_412 = arith.constant 0 : i32
      %dma_start3A_413 = tpu.memref_slice %arg5[%run_scoped3A_285, %run_scoped3A_286, %dma_start3A_412] : memref<4x2x128xi32, #tpu.memory_space<vmem>> -> memref<1x1x128xi32, #tpu.memory_space<vmem>>
      %dma_start3A_414 = tpu.memref_squeeze %dma_start3A_413 : memref<1x1x128xi32, #tpu.memory_space<vmem>> -> memref<128xi32, #tpu.memory_space<vmem>>
      %dma_start3A_415 = arith.constant 0 : i32
      %dma_start3A_416 = arith.constant 0 : i32
      %dma_start3A_417 = tpu.memref_slice %arg9[%dma_start3A_415, %dma_start3A_416] : memref<10112x144xf32, #tpu.memory_space<vmem_shared>> -> memref<10112x144xf32, #tpu.memory_space<vmem_shared>>
      tpu.enqueue_indirect_dma source(%dma_start3A_411 : memref<128x144xf32, #tpu.memory_space<vmem>>) target(%dma_start3A_417 : memref<10112x144xf32, #tpu.memory_space<vmem_shared>>) offsets(%dma_start3A_414 : memref<128xi32, #tpu.memory_space<vmem>>) semaphore(%run_scoped3A_407 : memref<!tpu.dma_semaphore, #tpu.memory_space<semaphore_mem>>) {add = true}
      %dma_wait3A_418 = arith.constant 0 : i32
      %dma_wait3A_419 = arith.constant 0 : i32
      %dma_wait3A_420 = tpu.memref_slice %arg8[%run_scoped3A, %dma_wait3A_418, %dma_wait3A_419] : memref<2x128x144xf32, #tpu.memory_space<vmem>> -> memref<1x128x144xf32, #tpu.memory_space<vmem>>
      %dma_wait3A_421 = tpu.memref_squeeze %dma_wait3A_420 : memref<1x128x144xf32, #tpu.memory_space<vmem>> -> memref<128x144xf32, #tpu.memory_space<vmem>>
      %dma_wait3A_422 = arith.constant 0 : i32
      %dma_wait3A_423 = tpu.memref_slice %arg5[%run_scoped3A_285, %run_scoped3A_286, %dma_wait3A_422] : memref<4x2x128xi32, #tpu.memory_space<vmem>> -> memref<1x1x128xi32, #tpu.memory_space<vmem>>
      %dma_wait3A_424 = tpu.memref_squeeze %dma_wait3A_423 : memref<1x1x128xi32, #tpu.memory_space<vmem>> -> memref<128xi32, #tpu.memory_space<vmem>>
      %dma_wait3A_425 = arith.constant 0 : i32
      %dma_wait3A_426 = arith.constant 0 : i32
      %dma_wait3A_427 = tpu.memref_slice %arg9[%dma_wait3A_425, %dma_wait3A_426] : memref<10112x144xf32, #tpu.memory_space<vmem_shared>> -> memref<10112x144xf32, #tpu.memory_space<vmem_shared>>
      tpu.wait_indirect_dma semaphore(%run_scoped3A_407 : memref<!tpu.dma_semaphore, #tpu.memory_space<semaphore_mem>>) src(%dma_wait3A_421 : memref<128x144xf32, #tpu.memory_space<vmem>>) dst(%dma_wait3A_427 : memref<10112x144xf32, #tpu.memory_space<vmem_shared>>)
      tpu.yield
    }) : () -> ()
    %dma_wait3A_287 = arith.constant 1 : i32
    %dma_wait3A_288 = arith.constant 0 : i32
    %dma_wait3A_289 = arith.constant 1 : i32
    %dma_wait3A_290 = arith.constant 0 : i32
    %dma_wait3A_291 = arith.constant 0 : i32
    %dma_wait3A_292 = tpu.memref_slice %arg8[%dma_wait3A_289, %dma_wait3A_290, %dma_wait3A_291] : memref<2x128x144xf32, #tpu.memory_space<vmem>> -> memref<1x128x144xf32, #tpu.memory_space<vmem>>
    %dma_wait3A_293 = tpu.memref_squeeze %dma_wait3A_292 : memref<1x128x144xf32, #tpu.memory_space<vmem>> -> memref<128x144xf32, #tpu.memory_space<vmem>>
    %dma_wait3A_294 = arith.constant 0 : i32
    %dma_wait3A_295 = tpu.memref_slice %arg5[%dma_wait3A_287, %dma_wait3A_288, %dma_wait3A_294] : memref<4x2x128xi32, #tpu.memory_space<vmem>> -> memref<1x1x128xi32, #tpu.memory_space<vmem>>
    %dma_wait3A_296 = tpu.memref_squeeze %dma_wait3A_295 : memref<1x1x128xi32, #tpu.memory_space<vmem>> -> memref<128xi32, #tpu.memory_space<vmem>>
    %dma_wait3A_297 = arith.constant 0 : i32
    %dma_wait3A_298 = arith.constant 0 : i32
    %dma_wait3A_299 = tpu.memref_slice %arg2[%dma_wait3A_297, %dma_wait3A_298] : memref<10000x144xf32, #tpu.memory_space<hbm>> -> memref<10000x144xf32, #tpu.memory_space<hbm>>
    tpu.wait_indirect_dma semaphore(%arg15 : memref<!tpu.dma_semaphore, #tpu.memory_space<semaphore_mem>>) src(%dma_wait3A_299 : memref<10000x144xf32, #tpu.memory_space<hbm>>) dst(%dma_wait3A_293 : memref<128x144xf32, #tpu.memory_space<vmem>>)
    %run_scoped3A_300 = arith.constant 1 : i32
    %run_scoped3A_301 = arith.constant 1 : i32
    %run_scoped3A_302 = arith.constant 1 : i32
    "tpu.region"() ({
      %run_scoped3A_407 = tpu.sem_alloc : memref<!tpu.dma_semaphore, #tpu.memory_space<semaphore_mem>>
      %dma_start3A_408 = arith.constant 0 : i32
      %dma_start3A_409 = arith.constant 0 : i32
      %dma_start3A_410 = tpu.memref_slice %arg8[%run_scoped3A_300, %dma_start3A_408, %dma_start3A_409] : memref<2x128x144xf32, #tpu.memory_space<vmem>> -> memref<1x128x144xf32, #tpu.memory_space<vmem>>
      %dma_start3A_411 = tpu.memref_squeeze %dma_start3A_410 : memref<1x128x144xf32, #tpu.memory_space<vmem>> -> memref<128x144xf32, #tpu.memory_space<vmem>>
      %dma_start3A_412 = arith.constant 0 : i32
      %dma_start3A_413 = tpu.memref_slice %arg5[%run_scoped3A_301, %run_scoped3A_302, %dma_start3A_412] : memref<4x2x128xi32, #tpu.memory_space<vmem>> -> memref<1x1x128xi32, #tpu.memory_space<vmem>>
      %dma_start3A_414 = tpu.memref_squeeze %dma_start3A_413 : memref<1x1x128xi32, #tpu.memory_space<vmem>> -> memref<128xi32, #tpu.memory_space<vmem>>
      %dma_start3A_415 = arith.constant 0 : i32
      %dma_start3A_416 = arith.constant 0 : i32
      %dma_start3A_417 = tpu.memref_slice %arg9[%dma_start3A_415, %dma_start3A_416] : memref<10112x144xf32, #tpu.memory_space<vmem_shared>> -> memref<10112x144xf32, #tpu.memory_space<vmem_shared>>
      tpu.enqueue_indirect_dma source(%dma_start3A_411 : memref<128x144xf32, #tpu.memory_space<vmem>>) target(%dma_start3A_417 : memref<10112x144xf32, #tpu.memory_space<vmem_shared>>) offsets(%dma_start3A_414 : memref<128xi32, #tpu.memory_space<vmem>>) semaphore(%run_scoped3A_407 : memref<!tpu.dma_semaphore, #tpu.memory_space<semaphore_mem>>) {add = true}
      %dma_wait3A_418 = arith.constant 0 : i32
      %dma_wait3A_419 = arith.constant 0 : i32
      %dma_wait3A_420 = tpu.memref_slice %arg8[%run_scoped3A_300, %dma_wait3A_418, %dma_wait3A_419] : memref<2x128x144xf32, #tpu.memory_space<vmem>> -> memref<1x128x144xf32, #tpu.memory_space<vmem>>
      %dma_wait3A_421 = tpu.memref_squeeze %dma_wait3A_420 : memref<1x128x144xf32, #tpu.memory_space<vmem>> -> memref<128x144xf32, #tpu.memory_space<vmem>>
      %dma_wait3A_422 = arith.constant 0 : i32
      %dma_wait3A_423 = tpu.memref_slice %arg5[%run_scoped3A_301, %run_scoped3A_302, %dma_wait3A_422] : memref<4x2x128xi32, #tpu.memory_space<vmem>> -> memref<1x1x128xi32, #tpu.memory_space<vmem>>
      %dma_wait3A_424 = tpu.memref_squeeze %dma_wait3A_423 : memref<1x1x128xi32, #tpu.memory_space<vmem>> -> memref<128xi32, #tpu.memory_space<vmem>>
      %dma_wait3A_425 = arith.constant 0 : i32
      %dma_wait3A_426 = arith.constant 0 : i32
      %dma_wait3A_427 = tpu.memref_slice %arg9[%dma_wait3A_425, %dma_wait3A_426] : memref<10112x144xf32, #tpu.memory_space<vmem_shared>> -> memref<10112x144xf32, #tpu.memory_space<vmem_shared>>
      tpu.wait_indirect_dma semaphore(%run_scoped3A_407 : memref<!tpu.dma_semaphore, #tpu.memory_space<semaphore_mem>>) src(%dma_wait3A_421 : memref<128x144xf32, #tpu.memory_space<vmem>>) dst(%dma_wait3A_427 : memref<10112x144xf32, #tpu.memory_space<vmem_shared>>)
      tpu.yield
    }) : () -> ()
    %dma_wait3A_303 = arith.constant 0 : i32
    %dma_wait3A_304 = tpu.memref_slice %arg3[%dma_wait3A_303, %add3A_4] : memref<2x320000xi32, #tpu.memory_space<hbm>> -> memref<1x16xi32, #tpu.memory_space<hbm>>
    %dma_wait3A_305 = tpu.memref_squeeze %dma_wait3A_304 : memref<1x16xi32, #tpu.memory_space<hbm>> -> memref<16xi32, #tpu.memory_space<hbm>>
    %dma_wait3A_306 = tpu.memref_slice %arg3[%dma_wait3A_303, %add3A_4] : memref<2x320000xi32, #tpu.memory_space<hbm>> -> memref<1x16xi32, #tpu.memory_space<hbm>>
    %dma_wait3A_307 = tpu.memref_squeeze %dma_wait3A_306 : memref<1x16xi32, #tpu.memory_space<hbm>> -> memref<16xi32, #tpu.memory_space<hbm>>
    tpu.wait_dma2 semaphore(%arg16 : memref<!tpu.dma_semaphore, #tpu.memory_space<semaphore_mem>>) src(%dma_wait3A_307 : memref<16xi32, #tpu.memory_space<hbm>>) dst(%arg6 : memref<16xi32, #tpu.memory_space<vmem>>)
    %dma_wait3A_308 = arith.constant 1 : i32
    %dma_wait3A_309 = tpu.memref_slice %arg3[%dma_wait3A_308, %add3A_4] : memref<2x320000xi32, #tpu.memory_space<hbm>> -> memref<1x16xi32, #tpu.memory_space<hbm>>
    %dma_wait3A_310 = tpu.memref_squeeze %dma_wait3A_309 : memref<1x16xi32, #tpu.memory_space<hbm>> -> memref<16xi32, #tpu.memory_space<hbm>>
    %dma_wait3A_311 = tpu.memref_slice %arg3[%dma_wait3A_308, %add3A_4] : memref<2x320000xi32, #tpu.memory_space<hbm>> -> memref<1x16xi32, #tpu.memory_space<hbm>>
    %dma_wait3A_312 = tpu.memref_squeeze %dma_wait3A_311 : memref<1x16xi32, #tpu.memory_space<hbm>> -> memref<16xi32, #tpu.memory_space<hbm>>
    tpu.wait_dma2 semaphore(%arg16 : memref<!tpu.dma_semaphore, #tpu.memory_space<semaphore_mem>>) src(%dma_wait3A_312 : memref<16xi32, #tpu.memory_space<hbm>>) dst(%arg7 : memref<16xi32, #tpu.memory_space<vmem>>)
    %dma_start3A_313 = arith.constant 0 : i32
    %dma_start3A_314 = arith.constant 0 : i32
    %dma_start3A_315 = arith.constant 0 : i32
    %dma_start3A_316 = tpu.memref_slice %arg8[%dma_start3A_313, %dma_start3A_314, %dma_start3A_315] : memref<2x128x144xf32, #tpu.memory_space<vmem>> -> memref<1x128x144xf32, #tpu.memory_space<vmem>>
    %dma_start3A_317 = tpu.memref_squeeze %dma_start3A_316 : memref<1x128x144xf32, #tpu.memory_space<vmem>> -> memref<128x144xf32, #tpu.memory_space<vmem>>
    %dma_start3A_318 = arith.constant 0 : i32
    %dma_start3A_319 = arith.constant 0 : i32
    %dma_start3A_320 = tpu.memref_slice %dma_start3A_317[%dma_start3A_318, %dma_start3A_319] : memref<128x144xf32, #tpu.memory_space<vmem>> -> memref<16x144xf32, #tpu.memory_space<vmem>>
    %dma_start3A_321 = arith.constant 0 : i32
    %dma_start3A_322 = arith.constant 0 : i32
    %dma_start3A_323 = tpu.memref_slice %arg2[%dma_start3A_321, %dma_start3A_322] : memref<10000x144xf32, #tpu.memory_space<hbm>> -> memref<10000x144xf32, #tpu.memory_space<hbm>>
    tpu.enqueue_indirect_dma source(%dma_start3A_323 : memref<10000x144xf32, #tpu.memory_space<hbm>>) target(%dma_start3A_320 : memref<16x144xf32, #tpu.memory_space<vmem>>) offsets(%arg6 : memref<16xi32, #tpu.memory_space<vmem>>) semaphore(%arg14 : memref<!tpu.dma_semaphore, #tpu.memory_space<semaphore_mem>>)
    %dma_wait3A_324 = arith.constant 0 : i32
    %dma_wait3A_325 = arith.constant 0 : i32
    %dma_wait3A_326 = arith.constant 0 : i32
    %dma_wait3A_327 = tpu.memref_slice %arg8[%dma_wait3A_324, %dma_wait3A_325, %dma_wait3A_326] : memref<2x128x144xf32, #tpu.memory_space<vmem>> -> memref<1x128x144xf32, #tpu.memory_space<vmem>>
    %dma_wait3A_328 = tpu.memref_squeeze %dma_wait3A_327 : memref<1x128x144xf32, #tpu.memory_space<vmem>> -> memref<128x144xf32, #tpu.memory_space<vmem>>
    %dma_wait3A_329 = arith.constant 0 : i32
    %dma_wait3A_330 = arith.constant 0 : i32
    %dma_wait3A_331 = tpu.memref_slice %dma_wait3A_328[%dma_wait3A_329, %dma_wait3A_330] : memref<128x144xf32, #tpu.memory_space<vmem>> -> memref<16x144xf32, #tpu.memory_space<vmem>>
    %dma_wait3A_332 = arith.constant 0 : i32
    %dma_wait3A_333 = arith.constant 0 : i32
    %dma_wait3A_334 = tpu.memref_slice %arg2[%dma_wait3A_332, %dma_wait3A_333] : memref<10000x144xf32, #tpu.memory_space<hbm>> -> memref<10000x144xf32, #tpu.memory_space<hbm>>
    tpu.wait_indirect_dma semaphore(%arg14 : memref<!tpu.dma_semaphore, #tpu.memory_space<semaphore_mem>>) src(%dma_wait3A_334 : memref<10000x144xf32, #tpu.memory_space<hbm>>) dst(%dma_wait3A_331 : memref<16x144xf32, #tpu.memory_space<vmem>>)
    %run_scoped3A_335 = arith.constant 0 : i32
    "tpu.region"() ({
      %run_scoped3A_407 = tpu.sem_alloc : memref<!tpu.dma_semaphore, #tpu.memory_space<semaphore_mem>>
      %dma_start3A_408 = arith.constant 0 : i32
      %dma_start3A_409 = arith.constant 0 : i32
      %dma_start3A_410 = tpu.memref_slice %arg8[%run_scoped3A_335, %dma_start3A_408, %dma_start3A_409] : memref<2x128x144xf32, #tpu.memory_space<vmem>> -> memref<1x128x144xf32, #tpu.memory_space<vmem>>
      %dma_start3A_411 = tpu.memref_squeeze %dma_start3A_410 : memref<1x128x144xf32, #tpu.memory_space<vmem>> -> memref<128x144xf32, #tpu.memory_space<vmem>>
      %dma_start3A_412 = arith.constant 0 : i32
      %dma_start3A_413 = arith.constant 0 : i32
      %dma_start3A_414 = tpu.memref_slice %dma_start3A_411[%dma_start3A_412, %dma_start3A_413] : memref<128x144xf32, #tpu.memory_space<vmem>> -> memref<16x144xf32, #tpu.memory_space<vmem>>
      %dma_start3A_415 = arith.constant 0 : i32
      %dma_start3A_416 = arith.constant 0 : i32
      %dma_start3A_417 = tpu.memref_slice %arg9[%dma_start3A_415, %dma_start3A_416] : memref<10112x144xf32, #tpu.memory_space<vmem_shared>> -> memref<10112x144xf32, #tpu.memory_space<vmem_shared>>
      tpu.enqueue_indirect_dma source(%dma_start3A_414 : memref<16x144xf32, #tpu.memory_space<vmem>>) target(%dma_start3A_417 : memref<10112x144xf32, #tpu.memory_space<vmem_shared>>) offsets(%arg7 : memref<16xi32, #tpu.memory_space<vmem>>) semaphore(%run_scoped3A_407 : memref<!tpu.dma_semaphore, #tpu.memory_space<semaphore_mem>>) {add = true}
      %dma_wait3A_418 = arith.constant 0 : i32
      %dma_wait3A_419 = arith.constant 0 : i32
      %dma_wait3A_420 = tpu.memref_slice %arg8[%run_scoped3A_335, %dma_wait3A_418, %dma_wait3A_419] : memref<2x128x144xf32, #tpu.memory_space<vmem>> -> memref<1x128x144xf32, #tpu.memory_space<vmem>>
      %dma_wait3A_421 = tpu.memref_squeeze %dma_wait3A_420 : memref<1x128x144xf32, #tpu.memory_space<vmem>> -> memref<128x144xf32, #tpu.memory_space<vmem>>
      %dma_wait3A_422 = arith.constant 0 : i32
      %dma_wait3A_423 = arith.constant 0 : i32
      %dma_wait3A_424 = tpu.memref_slice %dma_wait3A_421[%dma_wait3A_422, %dma_wait3A_423] : memref<128x144xf32, #tpu.memory_space<vmem>> -> memref<16x144xf32, #tpu.memory_space<vmem>>
      %dma_wait3A_425 = arith.constant 0 : i32
      %dma_wait3A_426 = arith.constant 0 : i32
      %dma_wait3A_427 = tpu.memref_slice %arg9[%dma_wait3A_425, %dma_wait3A_426] : memref<10112x144xf32, #tpu.memory_space<vmem_shared>> -> memref<10112x144xf32, #tpu.memory_space<vmem_shared>>
      tpu.wait_indirect_dma semaphore(%run_scoped3A_407 : memref<!tpu.dma_semaphore, #tpu.memory_space<semaphore_mem>>) src(%dma_wait3A_424 : memref<16x144xf32, #tpu.memory_space<vmem>>) dst(%dma_wait3A_427 : memref<10112x144xf32, #tpu.memory_space<vmem_shared>>)
      tpu.yield
    }) : () -> ()
    %min3A_336 = arith.constant 78 : i32
    %min3A_337 = arith.constant 77 : i32
    %min3A_338 = arith.minsi %min3A_336, %min3A_337 : i32
    %mul3A_339 = arith.constant 10000 : i32
    %mul3A_340 = arith.muli %add3A, %mul3A_339 : i32
    %mul3A_341 = arith.constant 128 : i32
    %mul3A_342 = arith.muli %min3A_338, %mul3A_341 : i32
    %add3A_343 = arith.addi %mul3A_340, %mul3A_342 : i32
    %dma_wait3A_344 = arith.constant 0 : i32
    %dma_wait3A_345 = arith.constant 2 : i32
    %dma_wait3A_346 = arith.constant 0 : i32
    %dma_wait3A_347 = arith.constant 0 : i32
    %dma_wait3A_348 = tpu.memref_slice %arg5[%dma_wait3A_345, %dma_wait3A_346, %dma_wait3A_347] : memref<4x2x128xi32, #tpu.memory_space<vmem>> -> memref<1x1x128xi32, #tpu.memory_space<vmem>>
    %dma_wait3A_349 = tpu.memref_squeeze %dma_wait3A_348 : memref<1x1x128xi32, #tpu.memory_space<vmem>> -> memref<128xi32, #tpu.memory_space<vmem>>
    %dma_wait3A_350 = tpu.memref_slice %arg3[%dma_wait3A_344, %add3A_343] : memref<2x320000xi32, #tpu.memory_space<hbm>> -> memref<1x128xi32, #tpu.memory_space<hbm>>
    %dma_wait3A_351 = tpu.memref_squeeze %dma_wait3A_350 : memref<1x128xi32, #tpu.memory_space<hbm>> -> memref<128xi32, #tpu.memory_space<hbm>>
    %dma_wait3A_352 = arith.constant 0 : i32
    %dma_wait3A_353 = tpu.memref_slice %arg5[%dma_wait3A_345, %dma_wait3A_346, %dma_wait3A_352] : memref<4x2x128xi32, #tpu.memory_space<vmem>> -> memref<1x1x128xi32, #tpu.memory_space<vmem>>
    %dma_wait3A_354 = tpu.memref_squeeze %dma_wait3A_353 : memref<1x1x128xi32, #tpu.memory_space<vmem>> -> memref<128xi32, #tpu.memory_space<vmem>>
    %dma_wait3A_355 = tpu.memref_slice %arg3[%dma_wait3A_344, %add3A_343] : memref<2x320000xi32, #tpu.memory_space<hbm>> -> memref<1x128xi32, #tpu.memory_space<hbm>>
    %dma_wait3A_356 = tpu.memref_squeeze %dma_wait3A_355 : memref<1x128xi32, #tpu.memory_space<hbm>> -> memref<128xi32, #tpu.memory_space<hbm>>
    tpu.wait_dma2 semaphore(%arg12 : memref<!tpu.dma_semaphore, #tpu.memory_space<semaphore_mem>>) src(%dma_wait3A_356 : memref<128xi32, #tpu.memory_space<hbm>>) dst(%dma_wait3A_354 : memref<128xi32, #tpu.memory_space<vmem>>)
    %dma_wait3A_357 = arith.constant 1 : i32
    %dma_wait3A_358 = arith.constant 2 : i32
    %dma_wait3A_359 = arith.constant 1 : i32
    %dma_wait3A_360 = arith.constant 0 : i32
    %dma_wait3A_361 = tpu.memref_slice %arg5[%dma_wait3A_358, %dma_wait3A_359, %dma_wait3A_360] : memref<4x2x128xi32, #tpu.memory_space<vmem>> -> memref<1x1x128xi32, #tpu.memory_space<vmem>>
    %dma_wait3A_362 = tpu.memref_squeeze %dma_wait3A_361 : memref<1x1x128xi32, #tpu.memory_space<vmem>> -> memref<128xi32, #tpu.memory_space<vmem>>
    %dma_wait3A_363 = tpu.memref_slice %arg3[%dma_wait3A_357, %add3A_343] : memref<2x320000xi32, #tpu.memory_space<hbm>> -> memref<1x128xi32, #tpu.memory_space<hbm>>
    %dma_wait3A_364 = tpu.memref_squeeze %dma_wait3A_363 : memref<1x128xi32, #tpu.memory_space<hbm>> -> memref<128xi32, #tpu.memory_space<hbm>>
    %dma_wait3A_365 = arith.constant 0 : i32
    %dma_wait3A_366 = tpu.memref_slice %arg5[%dma_wait3A_358, %dma_wait3A_359, %dma_wait3A_365] : memref<4x2x128xi32, #tpu.memory_space<vmem>> -> memref<1x1x128xi32, #tpu.memory_space<vmem>>
    %dma_wait3A_367 = tpu.memref_squeeze %dma_wait3A_366 : memref<1x1x128xi32, #tpu.memory_space<vmem>> -> memref<128xi32, #tpu.memory_space<vmem>>
    %dma_wait3A_368 = tpu.memref_slice %arg3[%dma_wait3A_357, %add3A_343] : memref<2x320000xi32, #tpu.memory_space<hbm>> -> memref<1x128xi32, #tpu.memory_space<hbm>>
    %dma_wait3A_369 = tpu.memref_squeeze %dma_wait3A_368 : memref<1x128xi32, #tpu.memory_space<hbm>> -> memref<128xi32, #tpu.memory_space<hbm>>
    tpu.wait_dma2 semaphore(%arg12 : memref<!tpu.dma_semaphore, #tpu.memory_space<semaphore_mem>>) src(%dma_wait3A_369 : memref<128xi32, #tpu.memory_space<hbm>>) dst(%dma_wait3A_367 : memref<128xi32, #tpu.memory_space<vmem>>)
    %min3A_370 = arith.constant 79 : i32
    %min3A_371 = arith.constant 77 : i32
    %min3A_372 = arith.minsi %min3A_370, %min3A_371 : i32
    %mul3A_373 = arith.constant 10000 : i32
    %mul3A_374 = arith.muli %add3A, %mul3A_373 : i32
    %mul3A_375 = arith.constant 128 : i32
    %mul3A_376 = arith.muli %min3A_372, %mul3A_375 : i32
    %add3A_377 = arith.addi %mul3A_374, %mul3A_376 : i32
    %dma_wait3A_378 = arith.constant 0 : i32
    %dma_wait3A_379 = arith.constant 3 : i32
    %dma_wait3A_380 = arith.constant 0 : i32
    %dma_wait3A_381 = arith.constant 0 : i32
    %dma_wait3A_382 = tpu.memref_slice %arg5[%dma_wait3A_379, %dma_wait3A_380, %dma_wait3A_381] : memref<4x2x128xi32, #tpu.memory_space<vmem>> -> memref<1x1x128xi32, #tpu.memory_space<vmem>>
    %dma_wait3A_383 = tpu.memref_squeeze %dma_wait3A_382 : memref<1x1x128xi32, #tpu.memory_space<vmem>> -> memref<128xi32, #tpu.memory_space<vmem>>
    %dma_wait3A_384 = tpu.memref_slice %arg3[%dma_wait3A_378, %add3A_377] : memref<2x320000xi32, #tpu.memory_space<hbm>> -> memref<1x128xi32, #tpu.memory_space<hbm>>
    %dma_wait3A_385 = tpu.memref_squeeze %dma_wait3A_384 : memref<1x128xi32, #tpu.memory_space<hbm>> -> memref<128xi32, #tpu.memory_space<hbm>>
    %dma_wait3A_386 = arith.constant 0 : i32
    %dma_wait3A_387 = tpu.memref_slice %arg5[%dma_wait3A_379, %dma_wait3A_380, %dma_wait3A_386] : memref<4x2x128xi32, #tpu.memory_space<vmem>> -> memref<1x1x128xi32, #tpu.memory_space<vmem>>
    %dma_wait3A_388 = tpu.memref_squeeze %dma_wait3A_387 : memref<1x1x128xi32, #tpu.memory_space<vmem>> -> memref<128xi32, #tpu.memory_space<vmem>>
    %dma_wait3A_389 = tpu.memref_slice %arg3[%dma_wait3A_378, %add3A_377] : memref<2x320000xi32, #tpu.memory_space<hbm>> -> memref<1x128xi32, #tpu.memory_space<hbm>>
    %dma_wait3A_390 = tpu.memref_squeeze %dma_wait3A_389 : memref<1x128xi32, #tpu.memory_space<hbm>> -> memref<128xi32, #tpu.memory_space<hbm>>
    tpu.wait_dma2 semaphore(%arg13 : memref<!tpu.dma_semaphore, #tpu.memory_space<semaphore_mem>>) src(%dma_wait3A_390 : memref<128xi32, #tpu.memory_space<hbm>>) dst(%dma_wait3A_388 : memref<128xi32, #tpu.memory_space<vmem>>)
    %dma_wait3A_391 = arith.constant 1 : i32
    %dma_wait3A_392 = arith.constant 3 : i32
    %dma_wait3A_393 = arith.constant 1 : i32
    %dma_wait3A_394 = arith.constant 0 : i32
    %dma_wait3A_395 = tpu.memref_slice %arg5[%dma_wait3A_392, %dma_wait3A_393, %dma_wait3A_394] : memref<4x2x128xi32, #tpu.memory_space<vmem>> -> memref<1x1x128xi32, #tpu.memory_space<vmem>>
    %dma_wait3A_396 = tpu.memref_squeeze %dma_wait3A_395 : memref<1x1x128xi32, #tpu.memory_space<vmem>> -> memref<128xi32, #tpu.memory_space<vmem>>
    %dma_wait3A_397 = tpu.memref_slice %arg3[%dma_wait3A_391, %add3A_377] : memref<2x320000xi32, #tpu.memory_space<hbm>> -> memref<1x128xi32, #tpu.memory_space<hbm>>
    %dma_wait3A_398 = tpu.memref_squeeze %dma_wait3A_397 : memref<1x128xi32, #tpu.memory_space<hbm>> -> memref<128xi32, #tpu.memory_space<hbm>>
    %dma_wait3A_399 = arith.constant 0 : i32
    %dma_wait3A_400 = tpu.memref_slice %arg5[%dma_wait3A_392, %dma_wait3A_393, %dma_wait3A_399] : memref<4x2x128xi32, #tpu.memory_space<vmem>> -> memref<1x1x128xi32, #tpu.memory_space<vmem>>
    %dma_wait3A_401 = tpu.memref_squeeze %dma_wait3A_400 : memref<1x1x128xi32, #tpu.memory_space<vmem>> -> memref<128xi32, #tpu.memory_space<vmem>>
    %dma_wait3A_402 = tpu.memref_slice %arg3[%dma_wait3A_391, %add3A_377] : memref<2x320000xi32, #tpu.memory_space<hbm>> -> memref<1x128xi32, #tpu.memory_space<hbm>>
    %dma_wait3A_403 = tpu.memref_squeeze %dma_wait3A_402 : memref<1x128xi32, #tpu.memory_space<hbm>> -> memref<128xi32, #tpu.memory_space<hbm>>
    tpu.wait_dma2 semaphore(%arg13 : memref<!tpu.dma_semaphore, #tpu.memory_space<semaphore_mem>>) src(%dma_wait3A_403 : memref<128xi32, #tpu.memory_space<hbm>>) dst(%dma_wait3A_401 : memref<128xi32, #tpu.memory_space<vmem>>)
    %barrier3A_404 = arith.constant 0 : index
    tpu.barrier barrier_id(%barrier3A_404)
    %mul3A_405 = arith.constant 632 : i32
    %mul3A_406 = arith.muli %arg1, %mul3A_405 : i32
    "tpu.region"() ({
      %run_scoped3A_407 = tpu.sem_alloc : memref<!tpu.dma_semaphore, #tpu.memory_space<semaphore_mem>>
      %dma_start3A_408 = arith.constant 0 : i32
      %dma_start3A_409 = tpu.memref_slice %arg4[%arg0, %mul3A_406, %dma_start3A_408] : memref<2x10112x144xf32, #tpu.memory_space<hbm>> -> memref<1x632x144xf32, #tpu.memory_space<hbm>>
      %dma_start3A_410 = tpu.memref_squeeze %dma_start3A_409 : memref<1x632x144xf32, #tpu.memory_space<hbm>> -> memref<632x144xf32, #tpu.memory_space<hbm>>
      %dma_start3A_411 = arith.constant 0 : i32
      %dma_start3A_412 = tpu.memref_slice %arg9[%mul3A_406, %dma_start3A_411] : memref<10112x144xf32, #tpu.memory_space<vmem_shared>> -> memref<632x144xf32, #tpu.memory_space<vmem_shared>>
      tpu.enqueue_dma source(%dma_start3A_412 : memref<632x144xf32, #tpu.memory_space<vmem_shared>>) target(%dma_start3A_410 : memref<632x144xf32, #tpu.memory_space<hbm>>) target_semaphore(%run_scoped3A_407 : memref<!tpu.dma_semaphore, #tpu.memory_space<semaphore_mem>>)
      %dma_wait3A_413 = arith.constant 0 : i32
      %dma_wait3A_414 = tpu.memref_slice %arg4[%arg0, %mul3A_406, %dma_wait3A_413] : memref<2x10112x144xf32, #tpu.memory_space<hbm>> -> memref<1x632x144xf32, #tpu.memory_space<hbm>>
      %dma_wait3A_415 = tpu.memref_squeeze %dma_wait3A_414 : memref<1x632x144xf32, #tpu.memory_space<hbm>> -> memref<632x144xf32, #tpu.memory_space<hbm>>
      %dma_wait3A_416 = arith.constant 0 : i32
      %dma_wait3A_417 = tpu.memref_slice %arg9[%mul3A_406, %dma_wait3A_416] : memref<10112x144xf32, #tpu.memory_space<vmem_shared>> -> memref<632x144xf32, #tpu.memory_space<vmem_shared>>
      tpu.wait_dma2 semaphore(%run_scoped3A_407 : memref<!tpu.dma_semaphore, #tpu.memory_space<semaphore_mem>>) src(%dma_wait3A_417 : memref<632x144xf32, #tpu.memory_space<vmem_shared>>) dst(%dma_wait3A_415 : memref<632x144xf32, #tpu.memory_space<hbm>>)
      tpu.yield
    }) : () -> ()
    return
  }
}

module attributes {stable_mosaic.version = 14 : i64} {
  func.func @_pre_body(%arg0: i32, %arg1: memref<2000x128xf32, #tpu.memory_space<vmem>>, %arg2: memref<128x128xf32, #tpu.memory_space<vmem>>, %arg3: memref<1x128xf32, #tpu.memory_space<vmem>>, %arg4: memref<128x128xf32, #tpu.memory_space<vmem>>, %arg5: memref<1x128xf32, #tpu.memory_space<vmem>>, %arg6: memref<2000x144xf32, #tpu.memory_space<vmem>>, %arg7: memref<2000x128xf32, #tpu.memory_space<vmem>>) attributes {dimension_semantics = [#tpu.dimension_semantics<arbitrary>], iteration_bounds = array<i64: 5>, scalar_prefetch = 0 : i64, scratch_operands = 0 : i64, tpu.core_type = #tpu.core_type<tc>, window_params = [{transform_indices = @transform_0, window_bounds = array<i64: 2000, 128>}, {pipeline_mode = #tpu.pipeline_mode<synchronous>, transform_indices = @transform_1, window_bounds = array<i64: 128, 128>}, {pipeline_mode = #tpu.pipeline_mode<synchronous>, transform_indices = @transform_2, window_bounds = array<i64: 1, 128>}, {pipeline_mode = #tpu.pipeline_mode<synchronous>, transform_indices = @transform_3, window_bounds = array<i64: 128, 128>}, {pipeline_mode = #tpu.pipeline_mode<synchronous>, transform_indices = @transform_4, window_bounds = array<i64: 1, 128>}, {transform_indices = @transform_5, window_bounds = array<i64: 2000, 144>}, {transform_indices = @transform_6, window_bounds = array<i64: 2000, 128>}]} {
    %get3A = arith.constant 0 : index
    %get3A_0 = arith.constant 0 : index
    %get3A_1 = vector.load %arg1[%get3A, %get3A_0] : memref<2000x128xf32, #tpu.memory_space<vmem>>, vector<2000x128xf32>
    %get3A_2 = arith.constant 0 : index
    %get3A_3 = arith.constant 0 : index
    %get3A_4 = vector.load %arg2[%get3A_2, %get3A_3] : memref<128x128xf32, #tpu.memory_space<vmem>>, vector<128x128xf32>
    %dot_general3A = arith.constant dense<0.000000e+00> : vector<2000x128xf32>
    %dot_general3A_5 = tpu.matmul %get3A_1, %get3A_4, %dot_general3A {dimension_numbers = #tpu.dot_dimension_numbers<[1], [0], [0], [1], [0, 0, 1, 1], [], []>, transpose_lhs_hint = false} : vector<2000x128xf32>, vector<128x128xf32>, vector<2000x128xf32> -> vector<2000x128xf32>
    %get3A_6 = arith.constant 0 : index
    %get3A_7 = arith.constant 0 : index
    %get3A_8 = vector.load %arg3[%get3A_6, %get3A_7] : memref<1x128xf32, #tpu.memory_space<vmem>>, vector<1x128xf32>
    %add3A = vector.broadcast %get3A_8 : vector<1x128xf32> to vector<2000x128xf32>
    %add3A_9 = arith.addf %dot_general3A_5, %add3A : vector<2000x128xf32>
    %max3A = arith.constant 0.000000e+00 : f32
    %max3A_10 = vector.broadcast %max3A : f32 to vector<2000x128xf32>
    %max3A_11 = arith.maximumf %add3A_9, %max3A_10 : vector<2000x128xf32>
    %iota3A = tpu.iota {dimensions = array<i32: 1>} : vector<2000x16xi32>
    %eq3A = arith.constant 0 : i32
    %eq3A_12 = vector.broadcast %eq3A : i32 to vector<2000x16xi32>
    %eq3A_13 = arith.cmpi eq, %iota3A, %eq3A_12 : vector<2000x16xi32>
    %jit3A = arith.constant 1.000000e+00 : f32
    %jit3A_14 = arith.constant 0.000000e+00 : f32
    %broadcast_in_dim3A = vector.broadcast %jit3A : f32 to vector<2000x16xf32>
    %broadcast_in_dim3A_15 = vector.broadcast %jit3A_14 : f32 to vector<2000x16xf32>
    %select_n3A = arith.select %eq3A_13, %broadcast_in_dim3A, %broadcast_in_dim3A_15 : vector<2000x16xi1>, vector<2000x16xf32>
    %concatenate3A = tpu.concatenate %max3A_11, %select_n3A in 1 : vector<2000x128xf32>, vector<2000x16xf32> -> vector<2000x144xf32>
    %swap3A = arith.constant 0 : index
    %swap3A_16 = arith.constant 0 : index
    %swap3A_17 = vector.load %arg6[%swap3A, %swap3A_16] : memref<2000x144xf32, #tpu.memory_space<vmem>>, vector<2000x144xf32>
    tpu.vector_store %arg6[%swap3A, %swap3A_16], %concatenate3A {strides = array<i32>} : memref<2000x144xf32, #tpu.memory_space<vmem>>, vector<2000x144xf32>,
    %get3A_18 = arith.constant 0 : index
    %get3A_19 = arith.constant 0 : index
    %get3A_20 = vector.load %arg4[%get3A_18, %get3A_19] : memref<128x128xf32, #tpu.memory_space<vmem>>, vector<128x128xf32>
    %dot_general3A_21 = arith.constant dense<0.000000e+00> : vector<2000x128xf32>
    %dot_general3A_22 = tpu.matmul %max3A_11, %get3A_20, %dot_general3A_21 {dimension_numbers = #tpu.dot_dimension_numbers<[1], [0], [0], [1], [0, 0, 1, 1], [], []>, transpose_lhs_hint = false} : vector<2000x128xf32>, vector<128x128xf32>, vector<2000x128xf32> -> vector<2000x128xf32>
    %get3A_23 = arith.constant 0 : index
    %get3A_24 = arith.constant 0 : index
    %get3A_25 = vector.load %arg5[%get3A_23, %get3A_24] : memref<1x128xf32, #tpu.memory_space<vmem>>, vector<1x128xf32>
    %add3A_26 = vector.broadcast %get3A_25 : vector<1x128xf32> to vector<2000x128xf32>
    %add3A_27 = arith.addf %dot_general3A_22, %add3A_26 : vector<2000x128xf32>
    %swap3A_28 = arith.constant 0 : index
    %swap3A_29 = arith.constant 0 : index
    %swap3A_30 = vector.load %arg7[%swap3A_28, %swap3A_29] : memref<2000x128xf32, #tpu.memory_space<vmem>>, vector<2000x128xf32>
    tpu.vector_store %arg7[%swap3A_28, %swap3A_29], %add3A_27 {strides = array<i32>} : memref<2000x128xf32, #tpu.memory_space<vmem>>, vector<2000x128xf32>,
    return
  }
  func.func @transform_0(%arg0: i32) -> (i32, i32) {
    %c0_i32 = arith.constant 0 : i32
    %c0_i32_0 = arith.constant 0 : i32
    return %arg0, %c0_i32 : i32, i32
  }
  func.func @transform_1(%arg0: i32) -> (i32, i32) {
    %c0_i32 = arith.constant 0 : i32
    %c0_i32_0 = arith.constant 0 : i32
    %c0_i32_1 = arith.constant 0 : i32
    return %c0_i32, %c0_i32_0 : i32, i32
  }
  func.func @transform_2(%arg0: i32) -> (i32, i32) {
    %c0_i32 = arith.constant 0 : i32
    %c0_i32_0 = arith.constant 0 : i32
    %c0_i32_1 = arith.constant 0 : i32
    return %c0_i32, %c0_i32_0 : i32, i32
  }
  func.func @transform_3(%arg0: i32) -> (i32, i32) {
    %c0_i32 = arith.constant 0 : i32
    %c0_i32_0 = arith.constant 0 : i32
    %c0_i32_1 = arith.constant 0 : i32
    return %c0_i32, %c0_i32_0 : i32, i32
  }
  func.func @transform_4(%arg0: i32) -> (i32, i32) {
    %c0_i32 = arith.constant 0 : i32
    %c0_i32_0 = arith.constant 0 : i32
    %c0_i32_1 = arith.constant 0 : i32
    return %c0_i32, %c0_i32_0 : i32, i32
  }
  func.func @transform_5(%arg0: i32) -> (i32, i32) {
    %c0_i32 = arith.constant 0 : i32
    %c0_i32_0 = arith.constant 0 : i32
    return %arg0, %c0_i32 : i32, i32
  }
  func.func @transform_6(%arg0: i32) -> (i32, i32) {
    %c0_i32 = arith.constant 0 : i32
    %c0_i32_0 = arith.constant 0 : i32
    return %arg0, %c0_i32 : i32, i32
  }
}

module attributes {stable_mosaic.version = 14 : i64} {
  func.func @_post_body(%arg0: i32, %arg1: memref<1x2000x144xf32, #tpu.memory_space<vmem>>, %arg2: memref<1x2000x144xf32, #tpu.memory_space<vmem>>, %arg3: memref<2000x128xf32, #tpu.memory_space<vmem>>, %arg4: memref<128x128xf32, #tpu.memory_space<vmem>>, %arg5: memref<128x20xf32, #tpu.memory_space<vmem>>, %arg6: memref<2000x20xf32, #tpu.memory_space<vmem>>, %arg7: memref<2000x128xf32, #tpu.memory_space<vmem>>) attributes {dimension_semantics = [#tpu.dimension_semantics<arbitrary>], iteration_bounds = array<i64: 5>, scalar_prefetch = 0 : i64, scratch_operands = 0 : i64, tpu.core_type = #tpu.core_type<tc>, window_params = [{transform_indices = @transform_0, window_bounds = array<i64: 1, 2000, 144>}, {transform_indices = @transform_1, window_bounds = array<i64: 1, 2000, 144>}, {transform_indices = @transform_2, window_bounds = array<i64: 2000, 128>}, {pipeline_mode = #tpu.pipeline_mode<synchronous>, transform_indices = @transform_3, window_bounds = array<i64: 128, 128>}, {pipeline_mode = #tpu.pipeline_mode<synchronous>, transform_indices = @transform_4, window_bounds = array<i64: 128, 20>}, {transform_indices = @transform_5, window_bounds = array<i64: 2000, 20>}, {transform_indices = @transform_6, window_bounds = array<i64: 2000, 128>}]} {
    %get3A = arith.constant 0 : index
    %get3A_0 = arith.constant 0 : index
    %get3A_1 = arith.constant 0 : index
    %get3A_2 = vector.load %arg1[%get3A, %get3A_0, %get3A_1] : memref<1x2000x144xf32, #tpu.memory_space<vmem>>, vector<1x2000x128xf32>
    %get3A_3 = vector.shape_cast %get3A_2 : vector<1x2000x128xf32> to vector<2000x128xf32>
    %get3A_4 = arith.constant 0 : index
    %get3A_5 = arith.constant 0 : index
    %get3A_6 = arith.constant 0 : index
    %get3A_7 = vector.load %arg2[%get3A_4, %get3A_5, %get3A_6] : memref<1x2000x144xf32, #tpu.memory_space<vmem>>, vector<1x2000x128xf32>
    %get3A_8 = vector.shape_cast %get3A_7 : vector<1x2000x128xf32> to vector<2000x128xf32>
    %add3A = arith.addf %get3A_3, %get3A_8 : vector<2000x128xf32>
    %get3A_9 = arith.constant 0 : index
    %get3A_10 = arith.constant 0 : index
    %get3A_11 = arith.constant 128 : index
    %get3A_12 = vector.load %arg1[%get3A_9, %get3A_10, %get3A_11] : memref<1x2000x144xf32, #tpu.memory_space<vmem>>, vector<1x2000x1xf32>
    %get3A_13 = vector.shape_cast %get3A_12 : vector<1x2000x1xf32> to vector<2000x1xf32>
    %get3A_14 = arith.constant 0 : index
    %get3A_15 = arith.constant 0 : index
    %get3A_16 = arith.constant 128 : index
    %get3A_17 = vector.load %arg2[%get3A_14, %get3A_15, %get3A_16] : memref<1x2000x144xf32, #tpu.memory_space<vmem>>, vector<1x2000x1xf32>
    %get3A_18 = vector.shape_cast %get3A_17 : vector<1x2000x1xf32> to vector<2000x1xf32>
    %add3A_19 = arith.addf %get3A_13, %get3A_18 : vector<2000x1xf32>
    %max3A = arith.constant 1.000000e+00 : f32
    %max3A_20 = vector.broadcast %max3A : f32 to vector<2000x1xf32>
    %max3A_21 = arith.maximumf %add3A_19, %max3A_20 : vector<2000x1xf32>
    %div3A = vector.broadcast %max3A_21 : vector<2000x1xf32> to vector<2000x128xf32>
    %div3A_22 = arith.divf %add3A, %div3A : vector<2000x128xf32>
    %get3A_23 = arith.constant 0 : index
    %get3A_24 = arith.constant 0 : index
    %get3A_25 = vector.load %arg4[%get3A_23, %get3A_24] : memref<128x128xf32, #tpu.memory_space<vmem>>, vector<128x128xf32>
    %dot_general3A = arith.constant dense<0.000000e+00> : vector<2000x128xf32>
    %dot_general3A_26 = tpu.matmul %div3A_22, %get3A_25, %dot_general3A {dimension_numbers = #tpu.dot_dimension_numbers<[1], [0], [0], [1], [0, 0, 1, 1], [], []>, transpose_lhs_hint = false} : vector<2000x128xf32>, vector<128x128xf32>, vector<2000x128xf32> -> vector<2000x128xf32>
    %get3A_27 = arith.constant 0 : index
    %get3A_28 = arith.constant 0 : index
    %get3A_29 = vector.load %arg3[%get3A_27, %get3A_28] : memref<2000x128xf32, #tpu.memory_space<vmem>>, vector<2000x128xf32>
    %add3A_30 = arith.addf %dot_general3A_26, %get3A_29 : vector<2000x128xf32>
    %swap3A = arith.constant 0 : index
    %swap3A_31 = arith.constant 0 : index
    %swap3A_32 = vector.load %arg7[%swap3A, %swap3A_31] : memref<2000x128xf32, #tpu.memory_space<vmem>>, vector<2000x128xf32>
    tpu.vector_store %arg7[%swap3A, %swap3A_31], %add3A_30 {strides = array<i32>} : memref<2000x128xf32, #tpu.memory_space<vmem>>, vector<2000x128xf32>,
    %mul3A = arith.mulf %add3A_30, %add3A_30 : vector<2000x128xf32>
    %reduce_sum3A = arith.constant dense<0.000000e+00> : vector<2000xf32>
    %reduce_sum3A_33 = vector.multi_reduction <add>, %mul3A, %reduce_sum3A [1] : vector<2000x128xf32> to vector<2000xf32>
    %broadcast_in_dim3A = vector.shape_cast %reduce_sum3A_33 : vector<2000xf32> to vector<2000x1xf32>
    %sqrt3A = math.sqrt %broadcast_in_dim3A : vector<2000x1xf32>
    %max3A_34 = arith.constant 9.99999996E-13 : f32
    %max3A_35 = vector.broadcast %max3A_34 : f32 to vector<2000x1xf32>
    %max3A_36 = arith.maximumf %sqrt3A, %max3A_35 : vector<2000x1xf32>
    %div3A_37 = vector.broadcast %max3A_36 : vector<2000x1xf32> to vector<2000x128xf32>
    %div3A_38 = arith.divf %add3A_30, %div3A_37 : vector<2000x128xf32>
    %get3A_39 = arith.constant 0 : index
    %get3A_40 = arith.constant 0 : index
    %get3A_41 = vector.load %arg5[%get3A_39, %get3A_40] : memref<128x20xf32, #tpu.memory_space<vmem>>, vector<128x20xf32>
    %mul3A_42 = arith.mulf %get3A_41, %get3A_41 : vector<128x20xf32>
    %reduce_sum3A_43 = arith.constant dense<0.000000e+00> : vector<20xf32>
    %reduce_sum3A_44 = vector.multi_reduction <add>, %mul3A_42, %reduce_sum3A_43 [0] : vector<128x20xf32> to vector<20xf32>
    %broadcast_in_dim3A_45 = vector.shape_cast %reduce_sum3A_44 : vector<20xf32> to vector<1x20xf32>
    %sqrt3A_46 = math.sqrt %broadcast_in_dim3A_45 : vector<1x20xf32>
    %max3A_47 = arith.constant 9.99999996E-13 : f32
    %max3A_48 = vector.broadcast %max3A_47 : f32 to vector<1x20xf32>
    %max3A_49 = arith.maximumf %sqrt3A_46, %max3A_48 : vector<1x20xf32>
    %div3A_50 = vector.broadcast %max3A_49 : vector<1x20xf32> to vector<128x20xf32>
    %div3A_51 = arith.divf %get3A_41, %div3A_50 : vector<128x20xf32>
    %dot_general3A_52 = arith.constant dense<0.000000e+00> : vector<2000x20xf32>
    %dot_general3A_53 = tpu.matmul %div3A_38, %div3A_51, %dot_general3A_52 {dimension_numbers = #tpu.dot_dimension_numbers<[1], [0], [0], [1], [0, 0, 1, 1], [], []>, transpose_lhs_hint = false} : vector<2000x128xf32>, vector<128x20xf32>, vector<2000x20xf32> -> vector<2000x20xf32>
    %mul3A_54 = arith.constant 1.000000e+01 : f32
    %mul3A_55 = vector.broadcast %mul3A_54 : f32 to vector<2000x20xf32>
    %mul3A_56 = arith.mulf %mul3A_55, %dot_general3A_53 : vector<2000x20xf32>
    %swap3A_57 = arith.constant 0 : index
    %swap3A_58 = arith.constant 0 : index
    %swap3A_59 = vector.load %arg6[%swap3A_57, %swap3A_58] : memref<2000x20xf32, #tpu.memory_space<vmem>>, vector<2000x20xf32>
    tpu.vector_store %arg6[%swap3A_57, %swap3A_58], %mul3A_56 {strides = array<i32>} : memref<2000x20xf32, #tpu.memory_space<vmem>>, vector<2000x20xf32>,
    return
  }
  func.func @transform_0(%arg0: i32) -> (i32, i32, i32) {
    %c0_i32 = arith.constant 0 : i32
    %c0_i32_0 = arith.constant 0 : i32
    %c0_i32_1 = arith.constant 0 : i32
    return %c0_i32, %arg0, %c0_i32_0 : i32, i32, i32
  }
  func.func @transform_1(%arg0: i32) -> (i32, i32, i32) {
    %c1_i32 = arith.constant 1 : i32
    %c0_i32 = arith.constant 0 : i32
    %c0_i32_0 = arith.constant 0 : i32
    return %c1_i32, %arg0, %c0_i32 : i32, i32, i32
  }
  func.func @transform_2(%arg0: i32) -> (i32, i32) {
    %c0_i32 = arith.constant 0 : i32
    %c0_i32_0 = arith.constant 0 : i32
    return %arg0, %c0_i32 : i32, i32
  }
  func.func @transform_3(%arg0: i32) -> (i32, i32) {
    %c0_i32 = arith.constant 0 : i32
    %c0_i32_0 = arith.constant 0 : i32
    %c0_i32_1 = arith.constant 0 : i32
    return %c0_i32, %c0_i32_0 : i32, i32
  }
  func.func @transform_4(%arg0: i32) -> (i32, i32) {
    %c0_i32 = arith.constant 0 : i32
    %c0_i32_0 = arith.constant 0 : i32
    %c0_i32_1 = arith.constant 0 : i32
    return %c0_i32, %c0_i32_0 : i32, i32
  }
  func.func @transform_5(%arg0: i32) -> (i32, i32) {
    %c0_i32 = arith.constant 0 : i32
    %c0_i32_0 = arith.constant 0 : i32
    return %arg0, %c0_i32 : i32, i32
  }
  func.func @transform_6(%arg0: i32) -> (i32, i32) {
    %c0_i32 = arith.constant 0 : i32
    %c0_i32_0 = arith.constant 0 : i32
    return %arg0, %c0_i32 : i32, i32
  }
}

</mosaic_0001>

<sc_bundles>
// kernel: kernel.5.cloned.1.call-start
scs
__scs_entry_jumppad:
0x0: {  	(pc) =	sbr.rel $0x88, $3  }
0x1: {  	(tag) =	ssettag $0x0;
	lr =	simm.s32 $0x1  }
0x2: {  	[smem:$0x3F99] =	sst lr;
	_ =	strace $0xD0000000  }
0x3: {  	_ = 	snop  }
0x4: {  	_ = 	snop  }
0x5: {  	_ = 	snop  }
0x6: {  	_ = 	snop  }
0x7: {  	_ = 	snop  }
__scs_overlays_trampoline_lowered:
0x8: {  	[smem:$0x3FA8] =	sst s0  }
0x9: {  	[smem:$0x3FA9] =	sst s1  }
0xa: {  	[smem:$0x3FAA] =	sst s2  }
0xb: {  	[smem:$0x3FAB] =	sst s3  }
0xc: {  	[smem:$0x3FAC] =	sst s4  }
0xd: {  	[smem:$0x3FAD] =	sst s5  }
0xe: {  	[smem:$0x3FAE] =	sst s6  }
0xf: {  	[smem:$0x3FAF] =	sst s7  }
0x10: {  	[smem:$0x3FB0] =	sst s8  }
0x11: {  	[smem:$0x3FB1] =	sst s9;
	s0 =	simm.s32 @!p0 $0x0  }
0x12: {  	s1 =	sld [smem:$0x3F97];
	s0 =	simm.s32 @p0 $0x1  }
0x13: {  	[smem:$0x3FB2] =	sst s0;
	s0 =	simm.s32 @!p1 $0x0  }
0x14: {  	s2 =	sld [smem:$0x3F96];
	s0 =	simm.s32 @p1 $0x1  }
0x15: {  	[smem:$0x3FB3] =	sst s0;
	s0 =	simm.s32 @!p2 $0x0  }
0x16: {  	s3 =	sld [smem:$0x3FDB];
	s0 =	simm.s32 @p2 $0x1  }
0x17: {  	s4 =	simm.s32 $0x1BF5;
	[smem:$0x3FB5] =	sst s0  }
0x18: {  	s0 =	sld [smem:$0x3F98];
	_ =	swait.ge [sflag:s4], $0x0  }
0x19: {  	s7 =	sld [smem:$0x3F99]  }
0x1a: {  	s8 =	sadd.s32 $0xFFFFE003, lr  }
0x1b: {  	s9 =	sadd.s32 $0xFFFFFEF7, lr;
	s5 =	simm.s32 $0xFFFFFFFF;
	p2 =	slt.u32 s8, $0xFFFFF086  }
0x1c: {  	p1 =	slt.u32 s9, $0xF7A;
	s5 =	simm.s32 @!p2 $0x0  }
0x1d: {  	s5 =	simm.s32 @p1 $0x1;
	p0 =	seq.s32 s7, s2  }
0x1e: {  	s7 =	smul.u32 @!p0 $0xF7A, s2;
	p2 =	seq.s32 @!p0 s5, $0x0  }
0x1f: {  	s9 =	smul.u32 $0xF7A, s1;
	s8 =	simm.s32 @!p0 $0x1BF5;
	p2 =	por !p2, p0  }
0x20: {  	[sflag:s8] =	ssyncset.s32 @!p0 $0xFFFFF086;
	s6 =	sadd.s32 @!p0 s3, s7;
	s7 =	simm.s32 @!p0 $0x108  }
0x21: {  	s3 =	sadd.s32 s3, s9;
	s6 =	sadd.s32 @!p0 $0x88, s6;
	s7 =	simm.s32 @p2 $0x1082  }
0x22: {  	[simem:s7], [sflag:s8] =	dma.local @!p0 [hbm:s6], $0xF7A  }
0x23: {  	s9 =	sor.u32 $0xD0000000, s2;
	s6 =	simm.s32 $0x108;
	_ =	swait.ge @!p0 [sflag:s8], $0x0  }
0x24: {  	s3 =	sadd.s32 $0x88, s3;
	s6 =	simm.s32 @!p1 $0x1082;
	[sflag:s4] =	ssyncset.s32 $0xFFFFF086  }
0x25: {  	[simem:s6], [sflag:s4] =	dma.local [hbm:s3], $0xF7A  }
0x26: {  	[smem:$0x3F99] =	sst s1;
	(tag) =	ssettag s2;
	_ =	strace s9  }
0x27: {  	s1 =	sld [smem:$0x3FA9]  }
0x28: {  	s2 =	sld [smem:$0x3FAA]  }
0x29: {  	s4 =	sld [smem:$0x3FAC]  }
0x2a: {  	p0 =	seq.s32 s5, $0x0;
	s5 =	sld [smem:$0x3FAD]  }
0x2b: {  	s6 =	sld [smem:$0x3FAE]  }
0x2c: {  	s7 =	sld [smem:$0x3FAF]  }
0x2d: {  	s3 =	simm.s32 $0x108;
	s8 =	sld [smem:$0x3FB0]  }
0x2e: {  	s3 =	simm.s32 @!p0 $0x1082;
	s9 =	sld [smem:$0x3FB1]  }
0x2f: {  	lr =	sadd.s32 s0, s3;
	s0 =	sld [smem:$0x3FA8]  }
0x30: {  	s3 =	sld [smem:$0x3FAB]  }
0x31: {  	[smem:$0x3FB4] =	sst s10  }
0x32: {  	s10 =	sld [smem:$0x3FB2];
	_ =	sdelay $0x3  }
0x33: {  	p0 =	seq.s32 s10, $0x1;
	s10 =	sld [smem:$0x3FB4];
	_ =	sdelay $0x3  }
0x34: {  	[smem:$0x3FB4] =	sst s10  }
0x35: {  	s10 =	sld [smem:$0x3FB3];
	_ =	sdelay $0x3  }
0x36: {  	p1 =	seq.s32 s10, $0x1;
	s10 =	sld [smem:$0x3FB4];
	_ =	sdelay $0x3  }
0x37: {  	[smem:$0x3FB4] =	sst s10  }
0x38: {  	s10 =	sld [smem:$0x3FB5]  }
0x39: {  	_ = 	snop;
	(pc) =	sbr.ind lr, $3  }
0x3a: {  	_ = 	snop  }
0x3b: {  	_ = 	snop  }
0x3c: {  	p2 =	seq.s32 s10, $0x1;
	s10 =	sld [smem:$0x3FB4]  }
0x3d: {  	_ =	shalt  }
0x3e: {  	_ =	shalt  }
0x3f: {  	_ =	shalt  }
0x40: {  	_ =	shalt  }
0x41: {  	_ =	shalt  }
0x42: {  	_ =	shalt  }
0x43: {  	_ =	shalt  }
0x44: {  	_ =	shalt  }
0x45: {  	_ =	shalt  }
0x46: {  	_ =	shalt  }
0x47: {  	_ =	shalt  }
0x48: {  	_ =	shalt  }
0x49: {  	_ =	shalt  }
0x4a: {  	_ =	shalt  }
0x4b: {  	_ =	shalt  }
0x4c: {  	_ =	shalt  }
0x4d: {  	_ =	shalt  }
0x4e: {  	_ =	shalt  }
0x4f: {  	_ =	shalt  }
0x50: {  	_ =	shalt  }
0x51: {  	_ =	shalt  }
0x52: {  	_ =	shalt  }
0x53: {  	_ =	shalt  }
0x54: {  	_ =	shalt  }
0x55: {  	_ =	shalt  }
0x56: {  	_ =	shalt  }
0x57: {  	_ =	shalt  }
0x58: {  	_ =	shalt  }
0x59: {  	_ =	shalt  }
0x5a: {  	_ =	shalt  }
0x5b: {  	_ =	shalt  }
0x5c: {  	_ =	shalt  }
0x5d: {  	_ =	shalt  }
0x5e: {  	_ =	shalt  }
0x5f: {  	_ =	shalt  }
0x60: {  	_ =	shalt  }
0x61: {  	_ =	shalt  }
0x62: {  	_ =	shalt  }
0x63: {  	_ =	shalt  }
0x64: {  	_ =	shalt  }
0x65: {  	_ =	shalt  }
0x66: {  	_ =	shalt  }
0x67: {  	_ =	shalt  }
0x68: {  	_ =	shalt  }
0x69: {  	_ =	shalt  }
0x6a: {  	_ =	shalt  }
0x6b: {  	_ =	shalt  }
0x6c: {  	_ =	shalt  }
0x6d: {  	_ =	shalt  }
0x6e: {  	_ =	shalt  }
0x6f: {  	_ =	shalt  }
0x70: {  	_ =	shalt  }
0x71: {  	_ =	shalt  }
0x72: {  	_ =	shalt  }
0x73: {  	_ =	shalt  }
0x74: {  	_ =	shalt  }
0x75: {  	_ =	shalt  }
0x76: {  	_ =	shalt  }
0x77: {  	_ =	shalt  }
0x78: {  	_ =	shalt  }
0x79: {  	_ =	shalt  }
0x7a: {  	_ =	shalt  }
0x7b: {  	_ =	shalt  }
0x7c: {  	_ =	shalt  }
0x7d: {  	_ =	shalt  }
0x7e: {  	_ =	shalt  }
0x7f: {  	_ =	shalt  }
0x80: {  	_ =	shalt  }
0x81: {  	_ =	shalt  }
0x82: {  	_ =	shalt  }
0x83: {  	_ =	shalt  }
0x84: {  	_ =	shalt  }
0x85: {  	_ =	shalt  }
0x86: {  	_ =	shalt  }
0x87: {  	_ =	shalt  }
.Lfunc_end0:
.L_simem_size_0:
called_computation_lowered:
.L_overlay_start_0:
0x88: {  	s2 =	sld [smem:$0x3FD9]  }
0x89: {  	s3 =	sld [smem:$0x3FFE];
	_ =	sdelay $0x1  }
0x8a: {  	s1 =	srdreg.scid  }
0x8b: {  	s0 =	sand.u32 $0x1, s1  }
0x8c: {  	s14 =	sshll.u32 s0, $0xA;
	s2 =	sadd.s32 s3, s2  }
0x8d: {  	s2 =	sadd.s32 s2, s14  }
0x8e: {  	[smem:$0x3FC0] =	sst s2  }
0x8f: {  	_ = 	snop  }
0x90: {  	s2 =	sld [smem:$0x3FD0];
	_ =	sdelay $0x2  }
0x91: {  	s15 =	simm.s32 $0xA;
	s4 =	simm.s32 $0x10  }
0x92: {  	[smem:s4], [sflag:s15] =	dma.local [hbm:s2], $0x1  }
0x93: {  	_ =	swait.eq [sflag:s15], $0x1  }
0x94: {  	[sflag:s15] =	ssyncset.done $0x0  }
0x95: {  	[sflag:s15] =	ssyncadd.s32 $0xFFFFFFFF  }
0x96: {  	s16 =	sld [smem:$0x11];
	(tm) =	ssettm $0x1  }
0x97: {  	s17 =	sld [smem:$0x3FFB];
	_ =	sdelay $0x3  }
0x98: {  	_ =	strace s17  }
0x99: {  	s3 =	sld [smem:$0x3FFC];
	_ =	sdelay $0x3  }
0x9a: {  	_ =	strace s3  }
0x9b: {  	s3 =	sld [smem:$0x3FFD];
	_ =	sdelay $0x3  }
0x9c: {  	_ =	strace s3  }
0x9d: {  	_ =	strace $0x8FFFFFFF  }
0x9e: {  	s18 =	sld [smem:$0x3FDB];
	_ =	sdelay $0x1  }
0x9f: {  	s19 =	simm.s32 $_scs_section_size  }
0xa0: {  	s5 =	simm.s32 $_size__tile_overlayer_lowered;
	s6 =	simm.s32 $_tile_overlayer_lowered  }
0xa1: {  	s22 =	simm.s32 $0x1BFF;
	s21 =	sshll.u32 s6, $0x1;
	s3 =	sadd.s32 s19, s18  }
0xa2: {  	s7 =	simm.s32 $0x0;
	s20 =	sshll.u32 s5, $0x1;
	s5 =	sadd.s32 s21, s3  }
0xa3: {  	[timem:s7], [sflag:s22] =	dma.local [hbm:s5], s20  }
0xa4: {  	_ =	swait.ge [sflag:s22], s20  }
0xa5: {  	s4 =	ssub.s32 $0x0, s20;
	[sflag:s22] =	ssyncset.done $0x0  }
0xa6: {  	[sflag:s22] =	ssyncadd.s32 s4;
	_ =	sdelay $0x1  }
0xa7: {  	s23 =	simm.s32 $0x1B8B  }
0xa8: {  	_ =	swait.ge [sflag:s23], $0x1  }
0xa9: {  	[sflag:s23] =	ssyncset.done $0x0  }
0xaa: {  	s25 =	simm.s32 $0x1B8E;
	s24 =	sld [smem:$0x3FFE];
	[sflag:s23] =	ssyncadd.s32 $0xFFFFFFFF  }
0xab: {  	s26 =	simm.s32 $execute0_lowered;
	[smem:$0x3FD2] =	sst s25  }
0xac: {  	s5 =	sshll.u32 s26, $0x1;
	_ =	strace $0x80000046;
	[dreg:$0x1] =	wrdreg $0xFFFFFFFF  }
0xad: {  	s28 =	simm.s32 $_size_execute0_lowered;
	s3 =	sadd.s32 s3, s5;
	[dreg:$0x0] =	wrdreg $0x0  }
0xae: {  	s5 =	sshll.u32 s28, $0x1;
	[dreg:$0x2] =	wrdreg s3  }
0xaf: {  	[dreg:$0x3] =	wrdreg s5  }
0xb0: {  	[dreg:$0x4] =	wrdreg $0xC0  }
0xb1: {  	_ =	task [dreg:s7], $0x5FFFF  }
0xb2: {  	[dreg:$0x1] =	wrdreg $0xFFFFFFFF  }
0xb3: {  	[dreg:$0x0] =	wrdreg $0x60  }
0xb4: {  	[dreg:$0x2] =	wrdreg s24  }
0xb5: {  	[dreg:$0x3] =	wrdreg s16  }
0xb6: {  	[dreg:$0x4] =	wrdreg $0x94200  }
0xb7: {  	[dreg:$0x5] =	wrdreg $0x9  }
0xb8: {  	_ =	task.clear_ibuf [dreg:s7], $0x6FFFF;
	_ =	strace $0x90000046  }
0xb9: {  	s29 =	simm.s32 $0x9;
	_ =	strace $0x80000048  }
0xba: {  	_ =	swait.ge [sflag:s29], $0x1  }
0xbb: {  	[sflag:s29] =	ssyncadd.s32 $0xFFFFFFFF  }
0xbc: {  	_ =	strace $0x90000048  }
0xbd: {  	_ =	sfence  }
0xbe: {  	s30 =	sld [smem:$0x0];
	_ =	sdelay $0x2  }
0xbf: {  	s31 =	sshll.u32 s1, $0xD;
	s1 =	sshrl.u32 s1, $0x2  }
0xc0: {  	s3 =	sand.u32 $0x4000, s31;
	s1 =	sadd.s32 s1, s30  }
0xc1: {  	s0 =	sor.u32 s3, s0;
	s1 =	sshll.u32 s1, $0x11  }
0xc2: {  	s0 =	sor.u32 s1, s0  }
0xc3: {  	s0 =	sadd.s32 $0x8F2B, s0  }
0xc4: {  	[sflag:s0] =	ssyncadd.remote.s32 $0x1  }
0xc5: {  	_ =	sfence.sel $0xFFFF  }
0xc6: {  	[dreg:$0x0] =	wrdreg $0xFFFFFFFF;
	(pc) =	sbr.abs _section_cstart, $3  }
0xc7: {  	[dreg:$0x1] =	wrdreg $0xFFFFFFFF  }
0xc8: {  	_ =	task.clear_ibuf [dreg:s7], $0x2FFFF;
	_ =	strace $0x9FFFFFFF  }
0xc9: {  	(tm) =	ssettm $0x7FFFFFFF  }
tec
execute0_lowered:
.L_overlay_start_1:
0x0: {  	(tag) =	ssettag $0x1  }
0x1: {  	s0 =	rddreg [dreg:$0x0]  }
0x2: {  	s2 =	rddreg [dreg:$0x1]  }
0x3: {  	s3 =	rddreg [dreg:$0x2]  }
0x4: {  	s1 =	srdreg.scid;
	s12 =	stileid.u32  }
0x5: {  	s1 =	sand.u32 $0x1, s1;
	s5 =	sshll.u32 s12, $0x1;
	s7 =	smul.u32 $0x16380, s12  }
0x6: {  	s4 =	simm.s32 $0x0;
	s6 =	smul.u32 $0x163800, s1;
	s5 =	sor.u32 s1, s5  }
0x7: {  	[smem:$0x7FF] =	sst s4;
	s9 =	ssub.s32 $0x2, s1;
	s8 =	smul.u32 $0x2710, s5  }
0x8: {  	s15 =	smul.u32 $0x58E00, s12;
	_ =	strace $0x80000047;
	s10 =	sshrl.u32 s9, $0x1  }
0x9: {  	s6 =	sadd.s32 s7, s6;
	s20 =	ssub.s32 s9, s10;
	s16 =	sadd.s32 $0x300, s8  }
0xa: {  	s11 =	sshrl.u32 s8, $0x3;
	s8 =	sadd.s32 $0x380, s8;
	[dreg:$0x4] =	wrdreg s16  }
0xb: {  	s7 =	sadd.s32 s7, s3;
	s20 =	smax.u32 s20, $0x1;
	[dreg:$0x5] =	wrdreg s8  }
0xc: {  	s9 =	sshrl.u32 s7, $0x3;
	[dreg:$0x12] =	wrdreg s20  }
0xd: {  	s18 =	sshrl.u32 s15, $0x2;
	s21 =	sadd.s32 s2, s11;
	[dreg:$0x18] =	wrdreg s9  }
0xe: {  	s8 =	sadd.s32 s18, s3;
	[dreg:$0x6] =	wrdreg s21  }
0xf: {  	s22 =	sadd.s32 $0x4E0, s21;
	[dreg:$0x11] =	wrdreg s8  }
0x10: {  	s23 =	sadd.s32 $0xA120, s21;
	[dreg:$0x7] =	wrdreg s22  }
0x11: {  	s24 =	sadd.s32 $0x9C40, s21;
	[dreg:$0x8] =	wrdreg s23  }
0x12: {  	s28 =	simm.s32 $0x280;
	s25 =	sadd.s32 $0x10, s21;
	[dreg:$0x9] =	wrdreg s24  }
0x13: {  	s29 =	simm.s32 $0x300;
	s26 =	sadd.s32 $0x9C50, s21;
	[dreg:$0xa] =	wrdreg s25  }
0x14: {  	s30 =	simm.s32 $0x380;
	s11 =	sadd.s32 $0x20, s21;
	[dreg:$0xb] =	wrdreg s26  }
0x15: {  	s5 =	sadd.s32 $0x1800, s0;
	s13 =	sadd.s32 $0x9C60, s21;
	[dreg:$0xc] =	wrdreg s11  }
0x16: {  	s6 =	sshrl.u32 s6, $0x3;
	s14 =	sadd.s32 $0x30, s21;
	[dreg:$0xd] =	wrdreg s13  }
0x17: {  	s0 =	sadd.s32 s6, s0;
	s10 =	sadd.s32 $0x9C70, s21;
	[dreg:$0xe] =	wrdreg s14  }
0x18: {  	s17 =	smul.u32 $0x4E20, s12;
	s0 =	sadd.s32 $0x2D800, s0;
	[dreg:$0xf] =	wrdreg s10  }
0x19: {  	s1 =	smul.u32 $0x2710, s1;
	s21 =	sadd.s32 $0x4800, s8;
	[dreg:$0x10] =	wrdreg s0  }
0x1a: {  	s31 =	simm.s32 $0x1;
	s12 =	sadd.s32 $0x12480, s8;
	[dreg:$0x13] =	wrdreg s21  }
0x1b: {  	s19 =	sadd.s32 s1, s17;
	s15 =	sadd.s32 $0x13200, s8;
	[dreg:$0x1b] =	wrdreg s12  }
0x1c: {  	s7 =	simm.s32 $0x8;
	s16 =	sadd.s32 $0x13680, s8;
	[dreg:$0x1e] =	wrdreg s15  }
0x1d: {  	s9 =	simm.s32 $0x3;
	s17 =	sadd.s32 $0x13B00, s8;
	[dreg:$0x1f] =	wrdreg s16  }
0x1e: {  	s18 =	sadd.s32 $0x13F80, s8;
	s20 =	sadd.s32 $0x14880, s8;
	[smem:$0x7F5] =	sst s17  }
0x1f: {  	s22 =	sadd.s32 $0x280, s19;
	s23 =	sadd.s32 $0x9000, s8;
	[smem:$0x7F6] =	sst s18  }
0x20: {  	s24 =	sadd.s32 $0x4E480, s19;
	s26 =	sadd.s32 $0x4E400, s19;
	[smem:$0x7F8] =	sst s20  }
0x21: {  	s0 =	sadd.s32 $0x200, s19;
	s10 =	sadd.s32 $0xD800, s8;
	[dreg:$0x14] =	wrdreg s23  }
0x22: {  	s11 =	sadd.s32 $0x12000, s8;
	s13 =	sadd.s32 $0x12900, s8;
	[dreg:$0x17] =	wrdreg s0  }
0x23: {  	s14 =	sadd.s32 $0x12D80, s8;
	s19 =	sadd.s32 $0x14400, s8;
	[dreg:$0x19] =	wrdreg s10  }
0x24: {  	s21 =	sadd.s32 $0x14D00, s8;
	s15 =	simm.s32 $0x400;
	[dreg:$0x1a] =	wrdreg s11  }
0x25: {  	s17 =	simm.s32 $0x410;
	s20 =	simm.s32 $0x100;
	[dreg:$0x1c] =	wrdreg s13  }
0x26: {  	s16 =	simm.s32 $0x5;
	s18 =	simm.s32 $0x6;
	[dreg:$0x1d] =	wrdreg s14  }
0x27: {  	s1 =	sshrl.u32 s22, $0x3;
	s25 =	sshrl.u32 s24, $0x3;
	[smem:$0x7F7] =	sst s19  }
0x28: {  	s6 =	sshrl.u32 s26, $0x3;
	[smem:$0x7F9] =	sst s21;
	s22 =	sadd.s32 $0x15180, s8  }
0x29: {  	s23 =	sadd.s32 $0x15600, s8;
	s26 =	sadd.s32 $0x15F00, s8;
	s19 =	simm.s32 $0x80  }
0x2a: {  	s0 =	simm.s32 $0x420;
	s10 =	simm.s32 $0x4;
	[smem:$0x7FA] =	sst s22  }
0x2b: {  	s11 =	simm.s32 $0x7;
	s13 =	simm.s32 $0x0;
	[smem:$0x7FB] =	sst s23  }
0x2c: {  	s1 =	sadd.s32 s1, s2;
	s24 =	sadd.s32 s6, s2;
	[smem:$0x7FD] =	sst s26  }
0x2d: {  	s26 =	simm.s32 $0x200;
	[dreg:$0x15] =	wrdreg s1;
	s1 =	sadd.s32 s25, s2  }
0x2e: {  	s25 =	sadd.s32 $0x15A80, s8;
	s8 =	simm.s32 $0x2;
	[dreg:$0x16] =	wrdreg s1  }
0x2f: {  	v0 =	vimm.f32 $0.0e+00;
	[smem:$0x7FC] =	sst s25;
	s25 =	simm.s32 $0x180;
	s1 =	simm.s32 $0x4C20  }
.LBB2_1:
0x30: {  	s6 =	rddreg [dreg:$0x7]  }
0x31: {  	[tilespmem:s15], [sflag:$0x7] =	stream.linear.gather [hbm4b:s6+s4], $0x10, $0x38;
	[tilespmem:$0x1F7A0] =	vst v63  }
0x32: {  	s22 =	rddreg [dreg:$0x8]  }
0x33: {  	[tilespmem:s17], [sflag:$0x7] =	stream.linear.gather [hbm4b:s22+s4], $0x10, $0x38;
	[tilespmem:$0x1F7A0] =	vst v63  }
0x34: {  	s23 =	rddreg [dreg:$0x6]  }
0x35: {  	[tilespmem:s4], [sflag:$0x1] =	stream.linear.gather [hbm4b:s23+s4], $0x80, $0x38;
	[tilespmem:$0x1F7A0] =	vst v63  }
0x36: {  	s12 =	rddreg [dreg:$0x9]  }
0x37: {  	[tilespmem:s19], [sflag:$0x1] =	stream.linear.gather [hbm4b:s12+s4], $0x80, $0x38;
	[tilespmem:$0x1F7A0] =	vst v63  }
0x38: {  	s14 =	rddreg [dreg:$0xa]  }
0x39: {  	[tilespmem:s20], [sflag:$0x2] =	stream.linear.gather [hbm4b:s14+s4], $0x80, $0x38;
	[tilespmem:$0x1F7A0] =	vst v63  }
0x3a: {  	s15 =	rddreg [dreg:$0xb]  }
0x3b: {  	[tilespmem:s25], [sflag:$0x2] =	stream.linear.gather [hbm4b:s15+s4], $0x80, $0x38;
	[tilespmem:$0x1F7A0] =	vst v63  }
0x3c: {  	s17 =	rddreg [dreg:$0xc]  }
0x3d: {  	[tilespmem:s26], [sflag:$0x3] =	stream.linear.gather [hbm4b:s17+s4], $0x80, $0x38;
	[tilespmem:$0x1F7A0] =	vst v63  }
0x3e: {  	s21 =	rddreg [dreg:$0xd]  }
0x3f: {  	[tilespmem:s28], [sflag:$0x3] =	stream.linear.gather [hbm4b:s21+s4], $0x80, $0x38;
	[tilespmem:$0x1F7A0] =	vst v63  }
0x40: {  	s22 =	rddreg [dreg:$0xe]  }
0x41: {  	[tilespmem:s29], [sflag:$0x4] =	stream.linear.gather [hbm4b:s22+s4], $0x80, $0x38;
	[tilespmem:$0x1F7A0] =	vst v63  }
0x42: {  	s6 =	simm.s32 $0x0;
	s23 =	rddreg [dreg:$0xf];
	s12 =	simm.s32 $0x240  }
0x43: {  	[tilespmem:s30], [sflag:$0x4] =	stream.linear.gather [hbm4b:s23+s4], $0x80, $0x38;
	[tilespmem:$0x1F7A0] =	vst v63  }
.LBB2_2:
0x44: {  	p0 =	sne.s32 s12, $0x11DC0;
	[tilespmem:s6+$0x4CA0] =	vst v0  }
0x45: {  	[tilespmem:s6+$0x4C20] =	vst v0  }
0x46: {  	[tilespmem:s6+$0x4C30] =	vst v0  }
0x47: {  	[tilespmem:s6+$0x4C40] =	vst v0  }
.Ltmp0:
0x48: {  	[tilespmem:s6+$0x4C50] =	vst v0;
	(pc) =	sbr.rel @p0 .LBB2_2-.Ltmp0, $4  }
0x49: {  	[tilespmem:s6+$0x4C60] =	vst v0  }
0x4a: {  	[tilespmem:s6+$0x4C70] =	vst v0  }
0x4b: {  	[tilespmem:s6+$0x4C80] =	vst v0  }
0x4c: {  	[tilespmem:s6+$0x4C90] =	vst v0;
	s6 =	sshra.s32 s12, $0x2;
	s12 =	sadd.s32 $0x240, s12  }
0x4d: {  	[tilespmem:s6+$0x4CA0] =	vst v0  }
0x4e: {  	[tilespmem:s6+$0x4C20] =	vst v0  }
0x4f: {  	[tilespmem:s6+$0x4C30] =	vst v0  }
0x50: {  	[tilespmem:s6+$0x4C40] =	vst v0  }
0x51: {  	[tilespmem:s6+$0x4C50] =	vst v0  }
0x52: {  	[tilespmem:s6+$0x4C60] =	vst v0  }
0x53: {  	[tilespmem:s6+$0x4C70] =	vst v0  }
0x54: {  	[tilespmem:s6+$0x4C80] =	vst v0  }
0x55: {  	[tilespmem:s6+$0x4C90] =	vst v0  }
0x56: {  	_ =	swait.ge [sflag:s31], $0x80  }
0x57: {  	[sflag:s31] =	ssyncset.done $0x0  }
0x58: {  	[sflag:s31] =	ssyncadd.s32 $0xFFFFFF80  }
0x59: {  	_ =	swait.ge [sflag:s31], $0x80  }
0x5a: {  	[sflag:s31] =	ssyncset.done $0x0  }
0x5b: {  	s6 =	simm.s32 $0x0;
	[sflag:s31] =	ssyncadd.s32 $0xFFFFFF80  }
0x5c: {  	[tilespmem:s0], [sflag:$0x5] =	stream.indirect.gather [hbm4b:s5+s19], $0x90, s6, s19, $0xb8;
	[tilespmem:$0x1F7A0] =	vst v63  }
0x5d: {  	s12 =	rddreg [dreg:$0x11]  }
0x5e: {  	[spmem:s12] =	stream.linear.scatter [tilespmem:s1], [sflag:$0x8], $0x4800, $0x38;
	[tilespmem:$0x1F7A0] =	vst v63  }
0x5f: {  	_ =	swait.ge [sflag:s7], $0x4800  }
0x60: {  	[sflag:s7] =	ssyncset.done $0x0  }
0x61: {  	s14 =	rddreg [dreg:$0x13];
	[sflag:s7] =	ssyncadd.s32 $0xFFFFB800  }
0x62: {  	[spmem:s14] =	stream.linear.scatter [tilespmem:s1], [sflag:$0x8], $0x4800, $0x38;
	[tilespmem:$0x1F7A0] =	vst v63  }
0x63: {  	_ =	swait.ge [sflag:s7], $0x4800  }
0x64: {  	[sflag:s7] =	ssyncset.done $0x0  }
0x65: {  	s15 =	rddreg [dreg:$0x14];
	[sflag:s7] =	ssyncadd.s32 $0xFFFFB800  }
0x66: {  	[spmem:s15] =	stream.linear.scatter [tilespmem:s1], [sflag:$0x8], $0x4800, $0x38;
	[tilespmem:$0x1F7A0] =	vst v63  }
0x67: {  	_ =	swait.ge [sflag:s7], $0x4800  }
0x68: {  	[sflag:s7] =	ssyncset.done $0x0  }
0x69: {  	s17 =	rddreg [dreg:$0x19];
	[sflag:s7] =	ssyncadd.s32 $0xFFFFB800  }
0x6a: {  	[spmem:s17] =	stream.linear.scatter [tilespmem:s1], [sflag:$0x8], $0x4800, $0x38;
	[tilespmem:$0x1F7A0] =	vst v63  }
0x6b: {  	_ =	swait.ge [sflag:s7], $0x4800  }
0x6c: {  	[sflag:s7] =	ssyncset.done $0x0  }
0x6d: {  	s21 =	rddreg [dreg:$0x1a];
	[sflag:s7] =	ssyncadd.s32 $0xFFFFB800  }
0x6e: {  	[spmem:s21] =	stream.linear.scatter [tilespmem:s1], [sflag:$0x8], $0x480, $0x38;
	[tilespmem:$0x1F7A0] =	vst v63  }
0x6f: {  	_ =	swait.ge [sflag:s7], $0x480  }
0x70: {  	[sflag:s7] =	ssyncset.done $0x0  }
0x71: {  	s22 =	rddreg [dreg:$0x1b];
	[sflag:s7] =	ssyncadd.s32 $0xFFFFFB80  }
0x72: {  	[spmem:s22] =	stream.linear.scatter [tilespmem:s1], [sflag:$0x8], $0x480, $0x38;
	[tilespmem:$0x1F7A0] =	vst v63  }
0x73: {  	_ =	swait.ge [sflag:s7], $0x480  }
0x74: {  	[sflag:s7] =	ssyncset.done $0x0  }
0x75: {  	s23 =	rddreg [dreg:$0x1c];
	[sflag:s7] =	ssyncadd.s32 $0xFFFFFB80  }
0x76: {  	[spmem:s23] =	stream.linear.scatter [tilespmem:s1], [sflag:$0x8], $0x480, $0x38;
	[tilespmem:$0x1F7A0] =	vst v63  }
0x77: {  	_ =	swait.ge [sflag:s7], $0x480  }
0x78: {  	[sflag:s7] =	ssyncset.done $0x0  }
0x79: {  	s14 =	rddreg [dreg:$0x1d];
	[sflag:s7] =	ssyncadd.s32 $0xFFFFFB80  }
0x7a: {  	[spmem:s14] =	stream.linear.scatter [tilespmem:s1], [sflag:$0x8], $0x480, $0x38;
	[tilespmem:$0x1F7A0] =	vst v63  }
0x7b: {  	_ =	swait.ge [sflag:s7], $0x480  }
0x7c: {  	[sflag:s7] =	ssyncset.done $0x0  }
0x7d: {  	s15 =	rddreg [dreg:$0x1e];
	[sflag:s7] =	ssyncadd.s32 $0xFFFFFB80  }
0x7e: {  	[spmem:s15] =	stream.linear.scatter [tilespmem:s1], [sflag:$0x8], $0x480, $0x38;
	[tilespmem:$0x1F7A0] =	vst v63  }
0x7f: {  	_ =	swait.ge [sflag:s7], $0x480  }
0x80: {  	[sflag:s7] =	ssyncset.done $0x0  }
0x81: {  	s17 =	rddreg [dreg:$0x1f];
	[sflag:s7] =	ssyncadd.s32 $0xFFFFFB80  }
0x82: {  	[spmem:s17] =	stream.linear.scatter [tilespmem:s1], [sflag:$0x8], $0x480, $0x38;
	[tilespmem:$0x1F7A0] =	vst v63  }
0x83: {  	_ =	swait.ge [sflag:s7], $0x480  }
0x84: {  	s21 =	sld [smem:$0x7F5]  }
0x85: {  	[sflag:s7] =	ssyncset.done $0x0  }
0x86: {  	[sflag:s7] =	ssyncadd.s32 $0xFFFFFB80  }
0x87: {  	[spmem:s21] =	stream.linear.scatter [tilespmem:s1], [sflag:$0x8], $0x480, $0x38;
	[tilespmem:$0x1F7A0] =	vst v63  }
0x88: {  	_ =	swait.ge [sflag:s7], $0x480  }
0x89: {  	s22 =	sld [smem:$0x7F6]  }
0x8a: {  	[sflag:s7] =	ssyncset.done $0x0  }
0x8b: {  	[sflag:s7] =	ssyncadd.s32 $0xFFFFFB80  }
0x8c: {  	[spmem:s22] =	stream.linear.scatter [tilespmem:s1], [sflag:$0x8], $0x480, $0x38;
	[tilespmem:$0x1F7A0] =	vst v63  }
0x8d: {  	_ =	swait.ge [sflag:s7], $0x480  }
0x8e: {  	s23 =	sld [smem:$0x7F7]  }
0x8f: {  	[sflag:s7] =	ssyncset.done $0x0  }
0x90: {  	[sflag:s7] =	ssyncadd.s32 $0xFFFFFB80  }
0x91: {  	[spmem:s23] =	stream.linear.scatter [tilespmem:s1], [sflag:$0x8], $0x480, $0x38;
	[tilespmem:$0x1F7A0] =	vst v63  }
0x92: {  	_ =	swait.ge [sflag:s7], $0x480  }
0x93: {  	s14 =	sld [smem:$0x7F8]  }
0x94: {  	[sflag:s7] =	ssyncset.done $0x0  }
0x95: {  	[sflag:s7] =	ssyncadd.s32 $0xFFFFFB80  }
0x96: {  	[spmem:s14] =	stream.linear.scatter [tilespmem:s1], [sflag:$0x8], $0x480, $0x38;
	[tilespmem:$0x1F7A0] =	vst v63  }
0x97: {  	_ =	swait.ge [sflag:s7], $0x480  }
0x98: {  	s15 =	sld [smem:$0x7F9]  }
0x99: {  	[sflag:s7] =	ssyncset.done $0x0  }
0x9a: {  	[sflag:s7] =	ssyncadd.s32 $0xFFFFFB80  }
0x9b: {  	[spmem:s15] =	stream.linear.scatter [tilespmem:s1], [sflag:$0x8], $0x480, $0x38;
	[tilespmem:$0x1F7A0] =	vst v63  }
0x9c: {  	_ =	swait.ge [sflag:s7], $0x480  }
0x9d: {  	s17 =	sld [smem:$0x7FA]  }
0x9e: {  	[sflag:s7] =	ssyncset.done $0x0  }
0x9f: {  	[sflag:s7] =	ssyncadd.s32 $0xFFFFFB80  }
0xa0: {  	[spmem:s17] =	stream.linear.scatter [tilespmem:s1], [sflag:$0x8], $0x480, $0x38;
	[tilespmem:$0x1F7A0] =	vst v63  }
0xa1: {  	_ =	swait.ge [sflag:s7], $0x480  }
0xa2: {  	s21 =	sld [smem:$0x7FB]  }
0xa3: {  	[sflag:s7] =	ssyncset.done $0x0  }
0xa4: {  	[sflag:s7] =	ssyncadd.s32 $0xFFFFFB80  }
0xa5: {  	[spmem:s21] =	stream.linear.scatter [tilespmem:s1], [sflag:$0x8], $0x480, $0x38;
	[tilespmem:$0x1F7A0] =	vst v63  }
0xa6: {  	_ =	swait.ge [sflag:s7], $0x480  }
0xa7: {  	s22 =	sld [smem:$0x7FC]  }
0xa8: {  	[sflag:s7] =	ssyncset.done $0x0  }
0xa9: {  	[sflag:s7] =	ssyncadd.s32 $0xFFFFFB80  }
0xaa: {  	[spmem:s22] =	stream.linear.scatter [tilespmem:s1], [sflag:$0x8], $0x480, $0x38;
	[tilespmem:$0x1F7A0] =	vst v63  }
0xab: {  	_ =	swait.ge [sflag:s7], $0x480  }
0xac: {  	s23 =	sld [smem:$0x7FD]  }
0xad: {  	[sflag:s7] =	ssyncset.done $0x0  }
0xae: {  	[sflag:s7] =	ssyncadd.s32 $0xFFFFFB80  }
0xaf: {  	[spmem:s23] =	stream.linear.scatter [tilespmem:s1], [sflag:$0x8], $0x480, $0x38;
	[tilespmem:$0x1F7A0] =	vst v63  }
0xb0: {  	_ =	swait.ge [sflag:s7], $0x480  }
0xb1: {  	[sflag:s7] =	ssyncset.done $0x0  }
0xb2: {  	[sflag:s7] =	ssyncadd.s32 $0xFFFFFB80  }
0xb3: {  	[bflag:$0x0] =	sbarrier.arrive $0xFFFF  }
0xb4: {  	_ =	swait.ge [sflag:s8], $0x80  }
0xb5: {  	[sflag:s8] =	ssyncset.done $0x0  }
0xb6: {  	[sflag:s8] =	ssyncadd.s32 $0xFFFFFF80  }
0xb7: {  	_ =	swait.ge [sflag:s8], $0x80  }
0xb8: {  	[sflag:s8] =	ssyncset.done $0x0  }
0xb9: {  	[sflag:s8] =	ssyncadd.s32 $0xFFFFFF80  }
0xba: {  	[tilespmem:s1], [sflag:$0x6] =	stream.indirect.gather [hbm4b:s5+s19], $0x90, s20, s19, $0xb8;
	[tilespmem:$0x1F7A0] =	vst v63  }
0xbb: {  	_ =	swait.ge [sflag:s16], $0x4800  }
0xbc: {  	[sflag:s16] =	ssyncset.done $0x0  }
0xbd: {  	[sflag:s16] =	ssyncadd.s32 $0xFFFFB800  }
0xbe: {  	[spmem:s3] =	stream.indirect.scatter.add.f32 [tilespmem:s0], [sflag:$0x8], $0x90, s19, s19, $0xb8;
	[tilespmem:$0x1F7A0] =	vst v63  }
0xbf: {  	_ =	swait.ge [sflag:s7], $0x4800  }
0xc0: {  	s21 =	rddreg [dreg:$0x17]  }
0xc1: {  	[sflag:s7] =	ssyncset.done $0x0;
	s14 =	sshrl.u32 s21, $0x3  }
0xc2: {  	[sflag:s7] =	ssyncadd.s32 $0xFFFFB800;
	s12 =	sadd.s32 s2, s14  }
0xc3: {  	[tilespmem:s4], [sflag:$0x1] =	stream.linear.gather [hbm4b:s12+s4], $0x80, $0x38;
	[tilespmem:$0x1F7A0] =	vst v63  }
0xc4: {  	_ = 	snop  }
0xc5: {  	[tilespmem:s19], [sflag:$0x1] =	stream.linear.gather [hbm4b:s24+s4], $0x80, $0x38;
	[tilespmem:$0x1F7A0] =	vst v63  }
0xc6: {  	_ =	swait.ge [sflag:s9], $0x80  }
0xc7: {  	[sflag:s9] =	ssyncset.done $0x0  }
0xc8: {  	[sflag:s9] =	ssyncadd.s32 $0xFFFFFF80  }
0xc9: {  	_ =	swait.ge [sflag:s9], $0x80  }
0xca: {  	[sflag:s9] =	ssyncset.done $0x0  }
0xcb: {  	[sflag:s9] =	ssyncadd.s32 $0xFFFFFF80  }
0xcc: {  	[tilespmem:s0], [sflag:$0x5] =	stream.indirect.gather [hbm4b:s5+s19], $0x90, s26, s19, $0xb8;
	[tilespmem:$0x1F7A0] =	vst v63  }
0xcd: {  	_ =	swait.ge [sflag:s18], $0x4800  }
0xce: {  	[sflag:s18] =	ssyncset.done $0x0  }
0xcf: {  	[sflag:s18] =	ssyncadd.s32 $0xFFFFB800  }
0xd0: {  	[spmem:s3] =	stream.indirect.scatter.add.f32 [tilespmem:s1], [sflag:$0x8], $0x90, s25, s19, $0xb8;
	[tilespmem:$0x1F7A0] =	vst v63  }
0xd1: {  	_ =	swait.ge [sflag:s7], $0x4800  }
0xd2: {  	[sflag:s7] =	ssyncset.done $0x0  }
0xd3: {  	s17 =	rddreg [dreg:$0x15];
	[sflag:s7] =	ssyncadd.s32 $0xFFFFB800  }
0xd4: {  	[tilespmem:s20], [sflag:$0x2] =	stream.linear.gather [hbm4b:s17+s4], $0x80, $0x38;
	[tilespmem:$0x1F7A0] =	vst v63  }
0xd5: {  	s22 =	rddreg [dreg:$0x16]  }
0xd6: {  	[tilespmem:s25], [sflag:$0x2] =	stream.linear.gather [hbm4b:s22+s4], $0x80, $0x38;
	[tilespmem:$0x1F7A0] =	vst v63  }
0xd7: {  	_ =	swait.ge [sflag:s10], $0x80  }
0xd8: {  	[sflag:s10] =	ssyncset.done $0x0  }
0xd9: {  	[sflag:s10] =	ssyncadd.s32 $0xFFFFFF80  }
0xda: {  	_ =	swait.ge [sflag:s10], $0x80  }
0xdb: {  	[sflag:s10] =	ssyncset.done $0x0  }
0xdc: {  	[sflag:s10] =	ssyncadd.s32 $0xFFFFFF80  }
0xdd: {  	[tilespmem:s1], [sflag:$0x6] =	stream.indirect.gather [hbm4b:s5+s19], $0x90, s29, s19, $0xb8;
	[tilespmem:$0x1F7A0] =	vst v63  }
0xde: {  	_ =	swait.ge [sflag:s16], $0x4800  }
0xdf: {  	[sflag:s16] =	ssyncset.done $0x0  }
0xe0: {  	[sflag:s16] =	ssyncadd.s32 $0xFFFFB800  }
0xe1: {  	[spmem:s3] =	stream.indirect.scatter.add.f32 [tilespmem:s0], [sflag:$0x8], $0x90, s28, s19, $0xb8;
	[tilespmem:$0x1F7A0] =	vst v63  }
0xe2: {  	s14 =	smin.u32 s6, $0x47;
	_ =	swait.ge [sflag:s7], $0x4800  }
0xe3: {  	s14 =	sshll.u32 s14, $0x7;
	s15 =	rddreg [dreg:$0x4]  }
0xe4: {  	s12 =	sadd.s32 s14, s15  }
0xe5: {  	[sflag:s7] =	ssyncset.done $0x0;
	s12 =	sshrl.u32 s12, $0x3  }
0xe6: {  	[sflag:s7] =	ssyncadd.s32 $0xFFFFB800;
	s12 =	sadd.s32 s2, s12  }
0xe7: {  	[tilespmem:s26], [sflag:$0x3] =	stream.linear.gather [hbm4b:s12+s4], $0x80, $0x38;
	[tilespmem:$0x1F7A0] =	vst v63  }
0xe8: {  	s12 =	sadd.s32 $0x9C40, s12  }
0xe9: {  	[tilespmem:s28], [sflag:$0x3] =	stream.linear.gather [hbm4b:s12+s4], $0x80, $0x38;
	[tilespmem:$0x1F7A0] =	vst v63  }
0xea: {  	_ =	swait.ge [sflag:s31], $0x80  }
0xeb: {  	[sflag:s31] =	ssyncset.done $0x0  }
0xec: {  	[sflag:s31] =	ssyncadd.s32 $0xFFFFFF80  }
0xed: {  	_ =	swait.ge [sflag:s31], $0x80  }
0xee: {  	[sflag:s31] =	ssyncset.done $0x0  }
0xef: {  	[sflag:s31] =	ssyncadd.s32 $0xFFFFFF80  }
0xf0: {  	[tilespmem:s0], [sflag:$0x5] =	stream.indirect.gather [hbm4b:s5+s19], $0x90, s4, s19, $0xb8;
	[tilespmem:$0x1F7A0] =	vst v63  }
0xf1: {  	_ =	swait.ge [sflag:s18], $0x4800  }
0xf2: {  	[sflag:s18] =	ssyncset.done $0x0  }
0xf3: {  	[sflag:s18] =	ssyncadd.s32 $0xFFFFB800  }
0xf4: {  	[spmem:s3] =	stream.indirect.scatter.add.f32 [tilespmem:s1], [sflag:$0x8], $0x90, s30, s19, $0xb8;
	[tilespmem:$0x1F7A0] =	vst v63  }
0xf5: {  	s6 =	smin.u32 s6, $0x46;
	_ =	swait.ge [sflag:s7], $0x4800  }
0xf6: {  	s6 =	sshll.u32 s6, $0x7;
	s23 =	rddreg [dreg:$0x5]  }
0xf7: {  	s14 =	simm.s32 $0x4;
	s6 =	sadd.s32 s6, s23  }
0xf8: {  	s15 =	sadd.s32 $0x40, s24;
	[sflag:s7] =	ssyncset.done $0x0;
	s6 =	sshrl.u32 s6, $0x3  }
0xf9: {  	s12 =	sadd.s32 $0x200, s21;
	[sflag:s7] =	ssyncadd.s32 $0xFFFFB800;
	s6 =	sadd.s32 s2, s6  }
0xfa: {  	[tilespmem:s29], [sflag:$0x4] =	stream.linear.gather [hbm4b:s6+s4], $0x80, $0x38;
	[tilespmem:$0x1F7A0] =	vst v63  }
0xfb: {  	s21 =	sadd.s32 $0x9C40, s6;
	s6 =	sadd.s32 $0x40, s17;
	s17 =	sadd.s32 $0x40, s22  }
.LBB2_4:
0xfc: {  	[tilespmem:s30], [sflag:$0x4] =	stream.linear.gather [hbm4b:s21+s4], $0x80, $0x38;
	[tilespmem:$0x1F7A0] =	vst v63  }
0xfd: {  	_ =	swait.ge [sflag:s8], $0x80  }
0xfe: {  	[sflag:s8] =	ssyncset.done $0x0  }
0xff: {  	[sflag:s8] =	ssyncadd.s32 $0xFFFFFF80  }
0x100: {  	_ =	swait.ge [sflag:s8], $0x80  }
0x101: {  	[sflag:s8] =	ssyncset.done $0x0  }
0x102: {  	[sflag:s8] =	ssyncadd.s32 $0xFFFFFF80  }
0x103: {  	[tilespmem:s1], [sflag:$0x6] =	stream.indirect.gather [hbm4b:s5+s19], $0x90, s20, s19, $0xb8;
	[tilespmem:$0x1F7A0] =	vst v63  }
0x104: {  	_ =	swait.ge [sflag:s16], $0x4800  }
0x105: {  	[sflag:s16] =	ssyncset.done $0x0  }
0x106: {  	[sflag:s16] =	ssyncadd.s32 $0xFFFFB800  }
0x107: {  	[spmem:s3] =	stream.indirect.scatter.add.f32 [tilespmem:s0], [sflag:$0x8], $0x90, s19, s19, $0xb8;
	[tilespmem:$0x1F7A0] =	vst v63  }
0x108: {  	_ =	swait.ge [sflag:s7], $0x4800  }
0x109: {  	s22 =	sshrl.u32 s12, $0x3;
	[sflag:s7] =	ssyncset.done $0x0  }
0x10a: {  	s22 =	sadd.s32 s2, s22;
	[sflag:s7] =	ssyncadd.s32 $0xFFFFB800  }
0x10b: {  	[tilespmem:s4], [sflag:$0x1] =	stream.linear.gather [hbm4b:s22+s4], $0x80, $0x38;
	[tilespmem:$0x1F7A0] =	vst v63  }
0x10c: {  	_ = 	snop  }
0x10d: {  	[tilespmem:s19], [sflag:$0x1] =	stream.linear.gather [hbm4b:s15+s4], $0x80, $0x38;
	[tilespmem:$0x1F7A0] =	vst v63  }
0x10e: {  	_ =	swait.ge [sflag:s9], $0x80  }
0x10f: {  	[sflag:s9] =	ssyncset.done $0x0  }
0x110: {  	[sflag:s9] =	ssyncadd.s32 $0xFFFFFF80  }
0x111: {  	_ =	swait.ge [sflag:s9], $0x80  }
0x112: {  	[sflag:s9] =	ssyncset.done $0x0  }
0x113: {  	[sflag:s9] =	ssyncadd.s32 $0xFFFFFF80  }
0x114: {  	[tilespmem:s0], [sflag:$0x5] =	stream.indirect.gather [hbm4b:s5+s19], $0x90, s26, s19, $0xb8;
	[tilespmem:$0x1F7A0] =	vst v63  }
0x115: {  	_ =	swait.ge [sflag:s18], $0x4800  }
0x116: {  	[sflag:s18] =	ssyncset.done $0x0  }
0x117: {  	[sflag:s18] =	ssyncadd.s32 $0xFFFFB800  }
0x118: {  	[spmem:s3] =	stream.indirect.scatter.add.f32 [tilespmem:s1], [sflag:$0x8], $0x90, s25, s19, $0xb8;
	[tilespmem:$0x1F7A0] =	vst v63  }
0x119: {  	_ =	swait.ge [sflag:s7], $0x4800  }
0x11a: {  	[sflag:s7] =	ssyncset.done $0x0  }
0x11b: {  	[sflag:s7] =	ssyncadd.s32 $0xFFFFB800  }
0x11c: {  	[tilespmem:s20], [sflag:$0x2] =	stream.linear.gather [hbm4b:s6+s4], $0x80, $0x38;
	[tilespmem:$0x1F7A0] =	vst v63  }
0x11d: {  	_ = 	snop  }
0x11e: {  	[tilespmem:s25], [sflag:$0x2] =	stream.linear.gather [hbm4b:s17+s4], $0x80, $0x38;
	[tilespmem:$0x1F7A0] =	vst v63  }
0x11f: {  	_ =	swait.ge [sflag:s10], $0x80  }
0x120: {  	[sflag:s10] =	ssyncset.done $0x0  }
0x121: {  	[sflag:s10] =	ssyncadd.s32 $0xFFFFFF80  }
0x122: {  	_ =	swait.ge [sflag:s10], $0x80  }
0x123: {  	[sflag:s10] =	ssyncset.done $0x0  }
0x124: {  	[sflag:s10] =	ssyncadd.s32 $0xFFFFFF80  }
0x125: {  	[tilespmem:s1], [sflag:$0x6] =	stream.indirect.gather [hbm4b:s5+s19], $0x90, s29, s19, $0xb8;
	[tilespmem:$0x1F7A0] =	vst v63  }
0x126: {  	_ =	swait.ge [sflag:s16], $0x4800  }
0x127: {  	[sflag:s16] =	ssyncset.done $0x0  }
0x128: {  	s21 =	smov.u32 s14;
	[sflag:s16] =	ssyncadd.s32 $0xFFFFB800  }
0x129: {  	[spmem:s3] =	stream.indirect.scatter.add.f32 [tilespmem:s0], [sflag:$0x8], $0x90, s28, s19, $0xb8;
	[tilespmem:$0x1F7A0] =	vst v63  }
0x12a: {  	s23 =	smin.u32 s21, $0x47;
	_ =	swait.ge [sflag:s7], $0x4800  }
0x12b: {  	s23 =	sshll.u32 s23, $0x7;
	s22 =	rddreg [dreg:$0x4]  }
0x12c: {  	s22 =	sadd.s32 s23, s22  }
0x12d: {  	[sflag:s7] =	ssyncset.done $0x0;
	s22 =	sshrl.u32 s22, $0x3  }
0x12e: {  	[sflag:s7] =	ssyncadd.s32 $0xFFFFB800;
	s22 =	sadd.s32 s2, s22  }
0x12f: {  	[tilespmem:s26], [sflag:$0x3] =	stream.linear.gather [hbm4b:s22+s4], $0x80, $0x38;
	[tilespmem:$0x1F7A0] =	vst v63  }
0x130: {  	s22 =	sadd.s32 $0x9C40, s22  }
0x131: {  	[tilespmem:s28], [sflag:$0x3] =	stream.linear.gather [hbm4b:s22+s4], $0x80, $0x38;
	[tilespmem:$0x1F7A0] =	vst v63  }
0x132: {  	_ =	swait.ge [sflag:s31], $0x80  }
0x133: {  	[sflag:s31] =	ssyncset.done $0x0  }
0x134: {  	[sflag:s31] =	ssyncadd.s32 $0xFFFFFF80  }
0x135: {  	_ =	swait.ge [sflag:s31], $0x80  }
0x136: {  	[sflag:s31] =	ssyncset.done $0x0  }
0x137: {  	[sflag:s31] =	ssyncadd.s32 $0xFFFFFF80  }
0x138: {  	[tilespmem:s0], [sflag:$0x5] =	stream.indirect.gather [hbm4b:s5+s19], $0x90, s4, s19, $0xb8;
	[tilespmem:$0x1F7A0] =	vst v63  }
0x139: {  	_ =	swait.ge [sflag:s18], $0x4800  }
0x13a: {  	[sflag:s18] =	ssyncset.done $0x0  }
0x13b: {  	[sflag:s18] =	ssyncadd.s32 $0xFFFFB800  }
0x13c: {  	[spmem:s3] =	stream.indirect.scatter.add.f32 [tilespmem:s1], [sflag:$0x8], $0x90, s30, s19, $0xb8;
	[tilespmem:$0x1F7A0] =	vst v63  }
0x13d: {  	s21 =	smin.u32 s21, $0x46;
	_ =	swait.ge [sflag:s7], $0x4800  }
0x13e: {  	p0 =	sne.s32 s14, $0x48;
	s21 =	sshll.u32 s21, $0x7;
	s23 =	rddreg [dreg:$0x5]  }
.Ltmp1:
0x13f: {  	s14 =	sadd.s32 $0x4, s14;
	s21 =	sadd.s32 s21, s23;
	(pc) =	sbr.rel @p0 .LBB2_4-.Ltmp1, $4  }
0x140: {  	s12 =	sadd.s32 $0x200, s12;
	[sflag:s7] =	ssyncset.done $0x0;
	s21 =	sshrl.u32 s21, $0x3  }
0x141: {  	s15 =	sadd.s32 $0x40, s15;
	[sflag:s7] =	ssyncadd.s32 $0xFFFFB800;
	s21 =	sadd.s32 s2, s21  }
0x142: {  	[tilespmem:s29], [sflag:$0x4] =	stream.linear.gather [hbm4b:s21+s4], $0x80, $0x38;
	[tilespmem:$0x1F7A0] =	vst v63  }
0x143: {  	s6 =	sadd.s32 $0x40, s6;
	s17 =	sadd.s32 $0x40, s17;
	s21 =	sadd.s32 $0x9C40, s21  }
0x144: {  	[tilespmem:s30], [sflag:$0x4] =	stream.linear.gather [hbm4b:s21+s4], $0x80, $0x38;
	[tilespmem:$0x1F7A0] =	vst v63  }
0x145: {  	_ =	swait.ge [sflag:s8], $0x80  }
0x146: {  	[sflag:s8] =	ssyncset.done $0x0  }
0x147: {  	[sflag:s8] =	ssyncadd.s32 $0xFFFFFF80  }
0x148: {  	_ =	swait.ge [sflag:s8], $0x80  }
0x149: {  	[sflag:s8] =	ssyncset.done $0x0  }
0x14a: {  	[sflag:s8] =	ssyncadd.s32 $0xFFFFFF80  }
0x14b: {  	[tilespmem:s1], [sflag:$0x6] =	stream.indirect.gather [hbm4b:s5+s19], $0x90, s20, s19, $0xb8;
	[tilespmem:$0x1F7A0] =	vst v63  }
0x14c: {  	_ =	swait.ge [sflag:s16], $0x4800  }
0x14d: {  	[sflag:s16] =	ssyncset.done $0x0  }
0x14e: {  	[sflag:s16] =	ssyncadd.s32 $0xFFFFB800  }
0x14f: {  	[spmem:s3] =	stream.indirect.scatter.add.f32 [tilespmem:s0], [sflag:$0x8], $0x90, s19, s19, $0xb8;
	[tilespmem:$0x1F7A0] =	vst v63  }
0x150: {  	_ =	swait.ge [sflag:s7], $0x4800  }
0x151: {  	[sflag:s7] =	ssyncset.done $0x0  }
0x152: {  	[sflag:s7] =	ssyncadd.s32 $0xFFFFB800  }
0x153: {  	_ =	swait.ge [sflag:s18], $0x4800  }
0x154: {  	[sflag:s18] =	ssyncset.done $0x0  }
0x155: {  	[sflag:s18] =	ssyncadd.s32 $0xFFFFB800  }
0x156: {  	[spmem:s3] =	stream.indirect.scatter.add.f32 [tilespmem:s1], [sflag:$0x8], $0x90, s25, s19, $0xb8;
	[tilespmem:$0x1F7A0] =	vst v63  }
0x157: {  	_ =	swait.ge [sflag:s7], $0x4800  }
0x158: {  	[sflag:s7] =	ssyncset.done $0x0  }
0x159: {  	[sflag:s7] =	ssyncadd.s32 $0xFFFFB800  }
0x15a: {  	_ =	swait.ge [sflag:s11], $0x10  }
0x15b: {  	[sflag:s11] =	ssyncset.done $0x0  }
0x15c: {  	[sflag:s11] =	ssyncadd.s32 $0xFFFFFFF0  }
0x15d: {  	_ =	swait.ge [sflag:s11], $0x10  }
0x15e: {  	[sflag:s11] =	ssyncset.done $0x0  }
0x15f: {  	s15 =	simm.s32 $0x400;
	s6 =	simm.s32 $0x10;
	[sflag:s11] =	ssyncadd.s32 $0xFFFFFFF0  }
0x160: {  	[tilespmem:s0], [sflag:$0x5] =	stream.indirect.gather [hbm4b:s5+s6], $0x90, s15, s6, $0xb8;
	[tilespmem:$0x1F7A0] =	vst v63  }
0x161: {  	_ =	swait.ge [sflag:s16], $0x900  }
0x162: {  	[sflag:s16] =	ssyncset.done $0x0  }
0x163: {  	s17 =	simm.s32 $0x410;
	[sflag:s16] =	ssyncadd.s32 $0xFFFFF700  }
0x164: {  	[spmem:s3] =	stream.indirect.scatter.add.f32 [tilespmem:s0], [sflag:$0x8], $0x90, s17, s6, $0xb8;
	[tilespmem:$0x1F7A0] =	vst v63  }
0x165: {  	_ =	swait.ge [sflag:s7], $0x900  }
0x166: {  	[sflag:s7] =	ssyncset.done $0x0  }
0x167: {  	[sflag:s7] =	ssyncadd.s32 $0xFFFFF700  }
0x168: {  	_ =	swait.ge [sflag:s9], $0x80  }
0x169: {  	[sflag:s9] =	ssyncset.done $0x0  }
0x16a: {  	[sflag:s9] =	ssyncadd.s32 $0xFFFFFF80  }
0x16b: {  	_ =	swait.ge [sflag:s9], $0x80  }
0x16c: {  	[sflag:s9] =	ssyncset.done $0x0  }
0x16d: {  	[sflag:s9] =	ssyncadd.s32 $0xFFFFFF80  }
0x16e: {  	_ =	swait.ge [sflag:s10], $0x80  }
0x16f: {  	[sflag:s10] =	ssyncset.done $0x0  }
0x170: {  	[sflag:s10] =	ssyncadd.s32 $0xFFFFFF80  }
0x171: {  	_ =	swait.ge [sflag:s10], $0x80  }
0x172: {  	[sflag:s10] =	ssyncset.done $0x0  }
0x173: {  	[sflag:s10] =	ssyncadd.s32 $0xFFFFFF80  }
0x174: {  	s22 =	stileid.u32;
	[bflag:$0x0] =	sbarrier.arrive $0xFFFF  }
0x175: {  	s6 =	sshll.u32 s22, $0x6;
	s12 =	rddreg [dreg:$0x10]  }
0x176: {  	s6 =	sor.u32 $0x1C08, s6;
	s14 =	rddreg [dreg:$0x18]  }
0x177: {  	[hbm:s12], [sflag:s6] =	dma.local [spmem:s14], $0x2C70  }
0x178: {  	_ =	swait.ge [sflag:s7], $0x2C70  }
0x179: {  	s13 =	sadd.s32 $0x1, s13;
	s23 =	rddreg [dreg:$0x12]  }
0x17a: {  	p0 =	sne.s32 s13, s23  }
.Ltmp2:
0x17b: {  	_ = 	snop;
	(pc) =	sbr.rel @p0 .LBB2_1-.Ltmp2, $3  }
0x17c: {  	_ =	sdelay $0x1  }
0x17d: {  	[sflag:s7] =	ssyncset.done $0x0  }
0x17e: {  	[sflag:s7] =	ssyncadd.s32 $0xFFFFD390  }
0x17f: {  	_ =	sfence.sel $0x180000  }
0x180: {  	[bflag:$0x0] =	sbarrier.arrive $0xFFFF  }
0x181: {  	_ =	strace $0x90000047  }
0x182: {  	s0 =	stileid.u32;
	[bflag:$0x2] =	sbarrier.arrive $0xFFFF  }
0x183: {  	p0 =	sne.s32 s0, $0x0;
	s0 =	rddreg [dreg:$0x3]  }
0x184: {  	s0 =	sadd.s32 @!p0 $0x100000, s0  }
0x185: {  	[sflag:s0] =	ssyncadd.tile.s32 @!p0 $0x1;
	_ =	shalt  }
.Lfunc_end2:
_tile_overlayer_lowered:
.L_overlay_start_2:
0x186: {  	(tag) =	ssettag $0x2  }
0x187: {  	s0 =	rddreg [dreg:$0x0];
	s2 =	stileid.u32  }
0x188: {  	s1 =	rddreg [dreg:$0x1];
	p0 =	sne.s32 s2, $0x0  }
0x189: {  	s3 =	rddreg [dreg:$0x2];
	[bflag:$0x3] =	sbarrier.arrive $0xFFFF;
	s2 =	simm.s32 @!p0 $0x1C08  }
0x18a: {  	[timem:s3], [sflag:s2] =	dma.local @!p0 [hbm:s0], s1  }
0x18b: {  	s0 =	simm.s32 @!p0 $0x8  }
0x18c: {  	_ =	swait.ge @!p0 [sflag:s0], s1  }
0x18d: {  	s1 =	ssub.s32 @!p0 $0x0, s1;
	[sflag:s0] =	ssyncset.done @!p0 $0x0  }
0x18e: {  	[sflag:s0] =	ssyncadd.s32 @!p0 s1  }
0x18f: {  	[bflag:$0x3] =	sbarrier.arrive $0xFFFF  }
0x190: {  	_ =	shalt  }

</sc_bundles>
